<compile_context>
chip_gen: v7x
topology: tpu7x:2x2x1
jax: 0.10.2.dev20260603
libtpu: 0.0.44.dev20260713+nightly
codegen_flags: <defaults>
</compile_context>

<pallas_src>
import functools

import numpy as np
import jax
import jax.numpy as jnp
from jax import lax
from jax.experimental import pallas as pl
from jax.experimental.pallas import tpu as pltpu
from jax.experimental.pallas import tpu_sc as plsc

DIM = 64
NW = 32
LANE = 128
TPC = 256


def _gather3(t0, t1, t2, idxT, n_tok):
    tpw = n_tok // NW
    cpw = tpw // TPC
    mesh = plsc.VectorSubcoreMesh(core_axis_name="c", subcore_axis_name="s")

    @functools.partial(
        pl.kernel,
        mesh=mesh,
        compiler_params=pltpu.CompilerParams(use_tc_tiling_on_sc=False),
        out_type=jax.ShapeDtypeStruct((n_tok, DIM), jnp.float32),
        scratch_types=[
            pltpu.VMEM((3, tpw), jnp.int32),
            pltpu.VMEM((3, TPC, DIM), jnp.float32),
            pltpu.VMEM((TPC, DIM), jnp.float32),
            pltpu.SemaphoreType.DMA,
        ],
    )
    def body(t0_h, t1_h, t2_h, idx_h, out_h, idx_v, g_v, s_v, sem):
        wid = lax.axis_index("s") * 2 + lax.axis_index("c")
        for t in range(3):
            pltpu.sync_copy(idx_h.at[t, pl.ds(wid * tpw, tpw)], idx_v.at[t])

        def chunk(ch, c):
            cps = []
            for t, tbl in enumerate((t0_h, t1_h, t2_h)):
                for j in range(TPC // LANE):
                    cps.append(
                        pltpu.async_copy(
                            tbl.at[idx_v.at[t, pl.ds(ch * TPC + j * LANE, LANE)]],
                            g_v.at[t, pl.ds(j * LANE, LANE)],
                            sem,
                        )
                    )
            for cp_ in cps:
                cp_.wait()

            def tok(k, c2):
                for s in range(DIM // 16):
                    sl = pl.ds(s * 16, 16)
                    s_v[k, sl] = g_v[0, k, sl] + g_v[1, k, sl] + g_v[2, k, sl]
                return c2

            lax.fori_loop(0, TPC, tok, 0)
            pltpu.sync_copy(s_v, out_h.at[pl.ds((wid * cpw + ch) * TPC, TPC)])
            return c

        lax.fori_loop(0, cpw, chunk, 0)

    return body(t0, t1, t2, idxT)


SEQ_BLK = 8


def _mixer_body(g_ref, cpt_ref, l0_ref, w_ref, b_ref, x_ref, msk_ref):
    t = cpt_ref[...] * np.float32(np.pi)
    s1 = jnp.sin(t)
    c1 = jnp.cos(t)
    two_c1 = c1 + c1
    S = [s1, two_c1 * s1]
    C = [c1, two_c1 * c1 - 1.0]
    for _ in range(14):
        S.append(two_c1 * S[-1] - S[-2])
        C.append(two_c1 * C[-1] - C[-2])
    n_bat = cpt_ref.shape[1]
    w = w_ref[...]
    bb = b_ref[...]
    for s8 in range(SEQ_BLK):
        a = jnp.concatenate(
            [v[8 * s8:8 * s8 + 8] for v in S + C], axis=0
        )
        xpe = lax.dot_general(
            a, w, (((0,), (0,)), ((), ())),
            preferred_element_type=jnp.float32,
        )
        r = pl.ds(s8 * n_bat, n_bat)
        x_ref[r, :] = (g_ref[r, :] + xpe + bb) * 0.5
    msk_ref[...] = (l0_ref[...] < 0).astype(jnp.int32)


def _mixer(g, cpX, l0, w2, b, n_seq, n_bat):
    grid = (n_seq // SEQ_BLK,)
    return pl.pallas_call(
        _mixer_body,
        grid=grid,
        in_specs=[
            pl.BlockSpec((SEQ_BLK * n_bat, DIM), lambda i: (i, 0)),
            pl.BlockSpec((8 * SEQ_BLK, n_bat), lambda i: (i, 0)),
            pl.BlockSpec((SEQ_BLK, n_bat), lambda i: (i, 0)),
            pl.BlockSpec((256, DIM), lambda i: (0, 0)),
            pl.BlockSpec((1, DIM), lambda i: (0, 0)),
        ],
        out_specs=[
            pl.BlockSpec((SEQ_BLK * n_bat, DIM), lambda i: (i, 0)),
            pl.BlockSpec((SEQ_BLK, n_bat), lambda i: (i, 0)),
        ],
        out_shape=[
            jax.ShapeDtypeStruct((n_seq * n_bat, DIM), jnp.float32),
            jax.ShapeDtypeStruct((n_seq, n_bat), jnp.int32),
        ],
    )(g, cpX, l0, w2, b.reshape(1, DIM))


def kernel(labels, control_points, stroke_table, startpoint_table, endpoint_table, W, b):
    b_, s_ = labels.shape[0], labels.shape[1]
    n = b_ * s_

    idxT = jnp.transpose(labels, (2, 1, 0)).reshape(3, n)
    cpX = jnp.transpose(control_points, (1, 2, 3, 0)).reshape(s_ * 8, b_)
    l0 = jnp.transpose(labels[:, :, 0], (1, 0))

    g = _gather3(stroke_table, startpoint_table, endpoint_table, idxT, n)

    w2 = W.reshape(8, 32, DIM).transpose(1, 0, 2).reshape(256, DIM)

    x, msk = _mixer(g, cpX, l0, w2, b, s_, b_)
    x = jnp.transpose(x.reshape(s_, b_, DIM), (1, 0, 2))
    return x, jnp.transpose(msk, (1, 0)).astype(jnp.bool_)

# --- scband reference (transcript-rebuilt; emitter-appended) ---
"""Pipeline reference for scband-stroke-embedding-sequence-87969520157421 (READ-ONLY COPY).

The authoritative reference and input builder live on the scoring server;
editing this copy changes nothing except your own understanding.
"""

import jax, jax.numpy as jnp
import numpy as np

VOCAB = 100000
DIM_MODEL = 64
DIM_PE = 16
B, S = 1024, 200


def setup_inputs(seed: int = 0) -> dict:
    key = jax.random.key(seed)
    ks = jax.random.split(key, 8)
    labels = jax.random.randint(ks[0], (B, S, 3), 0, VOCAB, dtype=jnp.int32)
    control_points = jax.random.uniform(ks[1], (B, S, 4, 2), dtype=jnp.float32)
    stroke_table = jax.random.normal(ks[2], (VOCAB, DIM_MODEL), dtype=jnp.float32) * 0.02
    startpoint_table = jax.random.normal(ks[3], (VOCAB, DIM_MODEL), dtype=jnp.float32) * 0.02
    endpoint_table = jax.random.normal(ks[4], (VOCAB, DIM_MODEL), dtype=jnp.float32) * 0.02
    W = jax.random.normal(ks[5], (16 * DIM_PE, DIM_MODEL), dtype=jnp.float32) * 0.02
    b = jnp.zeros((DIM_MODEL,), dtype=jnp.float32)
    return {"labels": labels, "control_points": control_points, "stroke_table": stroke_table, "startpoint_table": startpoint_table, "endpoint_table": endpoint_table, "W": W, "b": b}


def reference(labels, control_points, stroke_table, startpoint_table, endpoint_table, W, b):
    pe_coeffs = jnp.linspace(1.0, float(DIM_PE), DIM_PE)[None, None, None, :]
    src_key_padding_mask = labels[:, :, 0] < 0
    lab = jnp.clip(labels, 0, None)
    x_stroke_emb = jnp.take(stroke_table, lab[:, :, 0], axis=0)
    x_startpoint_emb = jnp.take(startpoint_table, lab[:, :, 1], axis=0)
    x_endpoint_emb = jnp.take(endpoint_table, lab[:, :, 2], axis=0)
    b_, s_ = control_points.shape[0], control_points.shape[1]
    cp_flat = control_points.reshape(b_, s_, control_points.shape[2] * control_points.shape[3], 1)
    pe_sin = jnp.sin(jnp.pi * pe_coeffs * cp_flat)
    pe_cos = jnp.cos(jnp.pi * pe_coeffs * cp_flat)
    pe = jnp.concatenate([pe_sin, pe_cos], axis=-1)
    pe_flat = pe.reshape(b_, s_, -1)
    x_pe = pe_flat @ W + b
    x = (x_stroke_emb + x_startpoint_emb + x_endpoint_emb + x_pe) / (4 ** 0.5)
    return (x, src_key_padding_mask)

if __name__ == "__main__":
    import jax
    _d = setup_inputs()
    print(jax.jit(kernel)(*tuple(_d.values())))

</pallas_src>

<mosaic_0001>
#map = affine_map<(d0, d1) -> (0, 0)>
module attributes {stable_mosaic.version = 14 : i64} {
  func.func @body(%arg0: i32, %arg1: i32, %arg2: memref<100000x64xf32, #tpu.memory_space<hbm>>, %arg3: memref<100000x64xf32, #tpu.memory_space<hbm>>, %arg4: memref<100000x64xf32, #tpu.memory_space<hbm>>, %arg5: memref<3x204800xi32, #tpu.memory_space<hbm>>, %arg6: memref<204800x64xf32, #tpu.memory_space<hbm>>, %arg7: memref<3x6400xi32, #tpu.memory_space<vmem>>, %arg8: memref<3x256x64xf32, #tpu.memory_space<vmem>>, %arg9: memref<256x64xf32, #tpu.memory_space<vmem>>, %arg10: memref<!tpu.dma_semaphore, #tpu.memory_space<semaphore_mem>>) attributes {dimension_semantics = [#tpu.dimension_semantics<core_parallel>, #tpu.dimension_semantics<subcore_parallel>], iteration_bounds = array<i64: 2, 16>, scalar_prefetch = 0 : i64, scratch_operands = 4 : i64, tpu.core_type = #tpu.core_type<sc_vector_subcore>, window_params = [{transform_indices = #map}, {transform_indices = #map}, {transform_indices = #map}, {transform_indices = #map}, {transform_indices = #map}]} {
    %mul3A = arith.constant 2 : i32
    %mul3A_0 = arith.muli %arg1, %mul3A : i32
    %add3A = arith.addi %mul3A_0, %arg0 : i32
    %mul3A_1 = arith.constant 6400 : i32
    %mul3A_2 = arith.muli %add3A, %mul3A_1 : i32
    %run_scoped3A = arith.constant 0 : i32
    %run_scoped3A_3 = arith.constant 0 : i32
    "tpu.region"() ({
      %run_scoped3A_17 = tpu.sem_alloc : memref<!tpu.dma_semaphore, #tpu.memory_space<semaphore_mem>>
      %dma_start3A = arith.constant 0 : i32
      %dma_start3A_18 = tpu.memref_slice %arg7[%run_scoped3A_3, %dma_start3A] : memref<3x6400xi32, #tpu.memory_space<vmem>> -> memref<1x6400xi32, #tpu.memory_space<vmem>>
      %dma_start3A_19 = tpu.memref_squeeze %dma_start3A_18 : memref<1x6400xi32, #tpu.memory_space<vmem>> -> memref<6400xi32, #tpu.memory_space<vmem>>
      %dma_start3A_20 = tpu.memref_slice %arg5[%run_scoped3A, %mul3A_2] : memref<3x204800xi32, #tpu.memory_space<hbm>> -> memref<1x6400xi32, #tpu.memory_space<hbm>>
      %dma_start3A_21 = tpu.memref_squeeze %dma_start3A_20 : memref<1x6400xi32, #tpu.memory_space<hbm>> -> memref<6400xi32, #tpu.memory_space<hbm>>
      %dma_start3A_22 = arith.constant 0 : i32
      %dma_start3A_23 = tpu.memref_slice %arg7[%run_scoped3A_3, %dma_start3A_22] : memref<3x6400xi32, #tpu.memory_space<vmem>> -> memref<1x6400xi32, #tpu.memory_space<vmem>>
      %dma_start3A_24 = tpu.memref_squeeze %dma_start3A_23 : memref<1x6400xi32, #tpu.memory_space<vmem>> -> memref<6400xi32, #tpu.memory_space<vmem>>
      %dma_start3A_25 = tpu.memref_slice %arg5[%run_scoped3A, %mul3A_2] : memref<3x204800xi32, #tpu.memory_space<hbm>> -> memref<1x6400xi32, #tpu.memory_space<hbm>>
      %dma_start3A_26 = tpu.memref_squeeze %dma_start3A_25 : memref<1x6400xi32, #tpu.memory_space<hbm>> -> memref<6400xi32, #tpu.memory_space<hbm>>
      tpu.enqueue_dma source(%dma_start3A_26 : memref<6400xi32, #tpu.memory_space<hbm>>) target(%dma_start3A_24 : memref<6400xi32, #tpu.memory_space<vmem>>) target_semaphore(%run_scoped3A_17 : memref<!tpu.dma_semaphore, #tpu.memory_space<semaphore_mem>>)
      %dma_wait3A = arith.constant 0 : i32
      %dma_wait3A_27 = tpu.memref_slice %arg7[%run_scoped3A_3, %dma_wait3A] : memref<3x6400xi32, #tpu.memory_space<vmem>> -> memref<1x6400xi32, #tpu.memory_space<vmem>>
      %dma_wait3A_28 = tpu.memref_squeeze %dma_wait3A_27 : memref<1x6400xi32, #tpu.memory_space<vmem>> -> memref<6400xi32, #tpu.memory_space<vmem>>
      %dma_wait3A_29 = tpu.memref_slice %arg5[%run_scoped3A, %mul3A_2] : memref<3x204800xi32, #tpu.memory_space<hbm>> -> memref<1x6400xi32, #tpu.memory_space<hbm>>
      %dma_wait3A_30 = tpu.memref_squeeze %dma_wait3A_29 : memref<1x6400xi32, #tpu.memory_space<hbm>> -> memref<6400xi32, #tpu.memory_space<hbm>>
      %dma_wait3A_31 = arith.constant 0 : i32
      %dma_wait3A_32 = tpu.memref_slice %arg7[%run_scoped3A_3, %dma_wait3A_31] : memref<3x6400xi32, #tpu.memory_space<vmem>> -> memref<1x6400xi32, #tpu.memory_space<vmem>>
      %dma_wait3A_33 = tpu.memref_squeeze %dma_wait3A_32 : memref<1x6400xi32, #tpu.memory_space<vmem>> -> memref<6400xi32, #tpu.memory_space<vmem>>
      %dma_wait3A_34 = tpu.memref_slice %arg5[%run_scoped3A, %mul3A_2] : memref<3x204800xi32, #tpu.memory_space<hbm>> -> memref<1x6400xi32, #tpu.memory_space<hbm>>
      %dma_wait3A_35 = tpu.memref_squeeze %dma_wait3A_34 : memref<1x6400xi32, #tpu.memory_space<hbm>> -> memref<6400xi32, #tpu.memory_space<hbm>>
      tpu.wait_dma2 semaphore(%run_scoped3A_17 : memref<!tpu.dma_semaphore, #tpu.memory_space<semaphore_mem>>) src(%dma_wait3A_35 : memref<6400xi32, #tpu.memory_space<hbm>>) dst(%dma_wait3A_33 : memref<6400xi32, #tpu.memory_space<vmem>>)
      tpu.yield
    }) : () -> ()
    %mul3A_4 = arith.constant 6400 : i32
    %mul3A_5 = arith.muli %add3A, %mul3A_4 : i32
    %run_scoped3A_6 = arith.constant 1 : i32
    %run_scoped3A_7 = arith.constant 1 : i32
    "tpu.region"() ({
      %run_scoped3A_17 = tpu.sem_alloc : memref<!tpu.dma_semaphore, #tpu.memory_space<semaphore_mem>>
      %dma_start3A = arith.constant 0 : i32
      %dma_start3A_18 = tpu.memref_slice %arg7[%run_scoped3A_7, %dma_start3A] : memref<3x6400xi32, #tpu.memory_space<vmem>> -> memref<1x6400xi32, #tpu.memory_space<vmem>>
      %dma_start3A_19 = tpu.memref_squeeze %dma_start3A_18 : memref<1x6400xi32, #tpu.memory_space<vmem>> -> memref<6400xi32, #tpu.memory_space<vmem>>
      %dma_start3A_20 = tpu.memref_slice %arg5[%run_scoped3A_6, %mul3A_5] : memref<3x204800xi32, #tpu.memory_space<hbm>> -> memref<1x6400xi32, #tpu.memory_space<hbm>>
      %dma_start3A_21 = tpu.memref_squeeze %dma_start3A_20 : memref<1x6400xi32, #tpu.memory_space<hbm>> -> memref<6400xi32, #tpu.memory_space<hbm>>
      %dma_start3A_22 = arith.constant 0 : i32
      %dma_start3A_23 = tpu.memref_slice %arg7[%run_scoped3A_7, %dma_start3A_22] : memref<3x6400xi32, #tpu.memory_space<vmem>> -> memref<1x6400xi32, #tpu.memory_space<vmem>>
      %dma_start3A_24 = tpu.memref_squeeze %dma_start3A_23 : memref<1x6400xi32, #tpu.memory_space<vmem>> -> memref<6400xi32, #tpu.memory_space<vmem>>
      %dma_start3A_25 = tpu.memref_slice %arg5[%run_scoped3A_6, %mul3A_5] : memref<3x204800xi32, #tpu.memory_space<hbm>> -> memref<1x6400xi32, #tpu.memory_space<hbm>>
      %dma_start3A_26 = tpu.memref_squeeze %dma_start3A_25 : memref<1x6400xi32, #tpu.memory_space<hbm>> -> memref<6400xi32, #tpu.memory_space<hbm>>
      tpu.enqueue_dma source(%dma_start3A_26 : memref<6400xi32, #tpu.memory_space<hbm>>) target(%dma_start3A_24 : memref<6400xi32, #tpu.memory_space<vmem>>) target_semaphore(%run_scoped3A_17 : memref<!tpu.dma_semaphore, #tpu.memory_space<semaphore_mem>>)
      %dma_wait3A = arith.constant 0 : i32
      %dma_wait3A_27 = tpu.memref_slice %arg7[%run_scoped3A_7, %dma_wait3A] : memref<3x6400xi32, #tpu.memory_space<vmem>> -> memref<1x6400xi32, #tpu.memory_space<vmem>>
      %dma_wait3A_28 = tpu.memref_squeeze %dma_wait3A_27 : memref<1x6400xi32, #tpu.memory_space<vmem>> -> memref<6400xi32, #tpu.memory_space<vmem>>
      %dma_wait3A_29 = tpu.memref_slice %arg5[%run_scoped3A_6, %mul3A_5] : memref<3x204800xi32, #tpu.memory_space<hbm>> -> memref<1x6400xi32, #tpu.memory_space<hbm>>
      %dma_wait3A_30 = tpu.memref_squeeze %dma_wait3A_29 : memref<1x6400xi32, #tpu.memory_space<hbm>> -> memref<6400xi32, #tpu.memory_space<hbm>>
      %dma_wait3A_31 = arith.constant 0 : i32
      %dma_wait3A_32 = tpu.memref_slice %arg7[%run_scoped3A_7, %dma_wait3A_31] : memref<3x6400xi32, #tpu.memory_space<vmem>> -> memref<1x6400xi32, #tpu.memory_space<vmem>>
      %dma_wait3A_33 = tpu.memref_squeeze %dma_wait3A_32 : memref<1x6400xi32, #tpu.memory_space<vmem>> -> memref<6400xi32, #tpu.memory_space<vmem>>
      %dma_wait3A_34 = tpu.memref_slice %arg5[%run_scoped3A_6, %mul3A_5] : memref<3x204800xi32, #tpu.memory_space<hbm>> -> memref<1x6400xi32, #tpu.memory_space<hbm>>
      %dma_wait3A_35 = tpu.memref_squeeze %dma_wait3A_34 : memref<1x6400xi32, #tpu.memory_space<hbm>> -> memref<6400xi32, #tpu.memory_space<hbm>>
      tpu.wait_dma2 semaphore(%run_scoped3A_17 : memref<!tpu.dma_semaphore, #tpu.memory_space<semaphore_mem>>) src(%dma_wait3A_35 : memref<6400xi32, #tpu.memory_space<hbm>>) dst(%dma_wait3A_33 : memref<6400xi32, #tpu.memory_space<vmem>>)
      tpu.yield
    }) : () -> ()
    %mul3A_8 = arith.constant 6400 : i32
    %mul3A_9 = arith.muli %add3A, %mul3A_8 : i32
    %run_scoped3A_10 = arith.constant 2 : i32
    %run_scoped3A_11 = arith.constant 2 : i32
    "tpu.region"() ({
      %run_scoped3A_17 = tpu.sem_alloc : memref<!tpu.dma_semaphore, #tpu.memory_space<semaphore_mem>>
      %dma_start3A = arith.constant 0 : i32
      %dma_start3A_18 = tpu.memref_slice %arg7[%run_scoped3A_11, %dma_start3A] : memref<3x6400xi32, #tpu.memory_space<vmem>> -> memref<1x6400xi32, #tpu.memory_space<vmem>>
      %dma_start3A_19 = tpu.memref_squeeze %dma_start3A_18 : memref<1x6400xi32, #tpu.memory_space<vmem>> -> memref<6400xi32, #tpu.memory_space<vmem>>
      %dma_start3A_20 = tpu.memref_slice %arg5[%run_scoped3A_10, %mul3A_9] : memref<3x204800xi32, #tpu.memory_space<hbm>> -> memref<1x6400xi32, #tpu.memory_space<hbm>>
      %dma_start3A_21 = tpu.memref_squeeze %dma_start3A_20 : memref<1x6400xi32, #tpu.memory_space<hbm>> -> memref<6400xi32, #tpu.memory_space<hbm>>
      %dma_start3A_22 = arith.constant 0 : i32
      %dma_start3A_23 = tpu.memref_slice %arg7[%run_scoped3A_11, %dma_start3A_22] : memref<3x6400xi32, #tpu.memory_space<vmem>> -> memref<1x6400xi32, #tpu.memory_space<vmem>>
      %dma_start3A_24 = tpu.memref_squeeze %dma_start3A_23 : memref<1x6400xi32, #tpu.memory_space<vmem>> -> memref<6400xi32, #tpu.memory_space<vmem>>
      %dma_start3A_25 = tpu.memref_slice %arg5[%run_scoped3A_10, %mul3A_9] : memref<3x204800xi32, #tpu.memory_space<hbm>> -> memref<1x6400xi32, #tpu.memory_space<hbm>>
      %dma_start3A_26 = tpu.memref_squeeze %dma_start3A_25 : memref<1x6400xi32, #tpu.memory_space<hbm>> -> memref<6400xi32, #tpu.memory_space<hbm>>
      tpu.enqueue_dma source(%dma_start3A_26 : memref<6400xi32, #tpu.memory_space<hbm>>) target(%dma_start3A_24 : memref<6400xi32, #tpu.memory_space<vmem>>) target_semaphore(%run_scoped3A_17 : memref<!tpu.dma_semaphore, #tpu.memory_space<semaphore_mem>>)
      %dma_wait3A = arith.constant 0 : i32
      %dma_wait3A_27 = tpu.memref_slice %arg7[%run_scoped3A_11, %dma_wait3A] : memref<3x6400xi32, #tpu.memory_space<vmem>> -> memref<1x6400xi32, #tpu.memory_space<vmem>>
      %dma_wait3A_28 = tpu.memref_squeeze %dma_wait3A_27 : memref<1x6400xi32, #tpu.memory_space<vmem>> -> memref<6400xi32, #tpu.memory_space<vmem>>
      %dma_wait3A_29 = tpu.memref_slice %arg5[%run_scoped3A_10, %mul3A_9] : memref<3x204800xi32, #tpu.memory_space<hbm>> -> memref<1x6400xi32, #tpu.memory_space<hbm>>
      %dma_wait3A_30 = tpu.memref_squeeze %dma_wait3A_29 : memref<1x6400xi32, #tpu.memory_space<hbm>> -> memref<6400xi32, #tpu.memory_space<hbm>>
      %dma_wait3A_31 = arith.constant 0 : i32
      %dma_wait3A_32 = tpu.memref_slice %arg7[%run_scoped3A_11, %dma_wait3A_31] : memref<3x6400xi32, #tpu.memory_space<vmem>> -> memref<1x6400xi32, #tpu.memory_space<vmem>>
      %dma_wait3A_33 = tpu.memref_squeeze %dma_wait3A_32 : memref<1x6400xi32, #tpu.memory_space<vmem>> -> memref<6400xi32, #tpu.memory_space<vmem>>
      %dma_wait3A_34 = tpu.memref_slice %arg5[%run_scoped3A_10, %mul3A_9] : memref<3x204800xi32, #tpu.memory_space<hbm>> -> memref<1x6400xi32, #tpu.memory_space<hbm>>
      %dma_wait3A_35 = tpu.memref_squeeze %dma_wait3A_34 : memref<1x6400xi32, #tpu.memory_space<hbm>> -> memref<6400xi32, #tpu.memory_space<hbm>>
      tpu.wait_dma2 semaphore(%run_scoped3A_17 : memref<!tpu.dma_semaphore, #tpu.memory_space<semaphore_mem>>) src(%dma_wait3A_35 : memref<6400xi32, #tpu.memory_space<hbm>>) dst(%dma_wait3A_33 : memref<6400xi32, #tpu.memory_space<vmem>>)
      tpu.yield
    }) : () -> ()
    %scan3A = arith.constant 0 : i32
    %scan3A_12 = arith.constant 0 : i32
    %scan3A_13 = arith.constant 25 : i32
    %scan3A_14 = arith.addi %scan3A_12, %scan3A_13 : i32
    %scan3A_15 = arith.constant 1 : i32
    scf.for %scan3A_17 = %scan3A_12 to %scan3A_14 step %scan3A_15  : i32 {
      %mul3A_18 = arith.constant 256 : i32
      %mul3A_19 = arith.muli %scan3A_17, %mul3A_18 : i32
      %add3A_20 = arith.constant 0 : i32
      %add3A_21 = arith.addi %mul3A_19, %add3A_20 : i32
      %dma_start3A = arith.constant 0 : i32
      %dma_start3A_22 = arith.constant 0 : i32
      %dma_start3A_23 = arith.constant 0 : i32
      %dma_start3A_24 = arith.constant 0 : i32
      %dma_start3A_25 = tpu.memref_slice %arg8[%dma_start3A_22, %dma_start3A_23, %dma_start3A_24] : memref<3x256x64xf32, #tpu.memory_space<vmem>> -> memref<1x128x64xf32, #tpu.memory_space<vmem>>
      %dma_start3A_26 = tpu.memref_squeeze %dma_start3A_25 : memref<1x128x64xf32, #tpu.memory_space<vmem>> -> memref<128x64xf32, #tpu.memory_space<vmem>>
      %dma_start3A_27 = tpu.memref_slice %arg7[%dma_start3A, %add3A_21] : memref<3x6400xi32, #tpu.memory_space<vmem>> -> memref<1x128xi32, #tpu.memory_space<vmem>>
      %dma_start3A_28 = tpu.memref_squeeze %dma_start3A_27 : memref<1x128xi32, #tpu.memory_space<vmem>> -> memref<128xi32, #tpu.memory_space<vmem>>
      %dma_start3A_29 = arith.constant 0 : i32
      %dma_start3A_30 = arith.constant 0 : i32
      %dma_start3A_31 = tpu.memref_slice %arg2[%dma_start3A_29, %dma_start3A_30] : memref<100000x64xf32, #tpu.memory_space<hbm>> -> memref<100000x64xf32, #tpu.memory_space<hbm>>
      tpu.enqueue_indirect_dma source(%dma_start3A_31 : memref<100000x64xf32, #tpu.memory_space<hbm>>) target(%dma_start3A_26 : memref<128x64xf32, #tpu.memory_space<vmem>>) offsets(%dma_start3A_28 : memref<128xi32, #tpu.memory_space<vmem>>) semaphore(%arg10 : memref<!tpu.dma_semaphore, #tpu.memory_space<semaphore_mem>>)
      %mul3A_32 = arith.constant 256 : i32
      %mul3A_33 = arith.muli %scan3A_17, %mul3A_32 : i32
      %add3A_34 = arith.constant 128 : i32
      %add3A_35 = arith.addi %mul3A_33, %add3A_34 : i32
      %dma_start3A_36 = arith.constant 0 : i32
      %dma_start3A_37 = arith.constant 0 : i32
      %dma_start3A_38 = arith.constant 128 : i32
      %dma_start3A_39 = arith.constant 0 : i32
      %dma_start3A_40 = tpu.memref_slice %arg8[%dma_start3A_37, %dma_start3A_38, %dma_start3A_39] : memref<3x256x64xf32, #tpu.memory_space<vmem>> -> memref<1x128x64xf32, #tpu.memory_space<vmem>>
      %dma_start3A_41 = tpu.memref_squeeze %dma_start3A_40 : memref<1x128x64xf32, #tpu.memory_space<vmem>> -> memref<128x64xf32, #tpu.memory_space<vmem>>
      %dma_start3A_42 = tpu.memref_slice %arg7[%dma_start3A_36, %add3A_35] : memref<3x6400xi32, #tpu.memory_space<vmem>> -> memref<1x128xi32, #tpu.memory_space<vmem>>
      %dma_start3A_43 = tpu.memref_squeeze %dma_start3A_42 : memref<1x128xi32, #tpu.memory_space<vmem>> -> memref<128xi32, #tpu.memory_space<vmem>>
      %dma_start3A_44 = arith.constant 0 : i32
      %dma_start3A_45 = arith.constant 0 : i32
      %dma_start3A_46 = tpu.memref_slice %arg2[%dma_start3A_44, %dma_start3A_45] : memref<100000x64xf32, #tpu.memory_space<hbm>> -> memref<100000x64xf32, #tpu.memory_space<hbm>>
      tpu.enqueue_indirect_dma source(%dma_start3A_46 : memref<100000x64xf32, #tpu.memory_space<hbm>>) target(%dma_start3A_41 : memref<128x64xf32, #tpu.memory_space<vmem>>) offsets(%dma_start3A_43 : memref<128xi32, #tpu.memory_space<vmem>>) semaphore(%arg10 : memref<!tpu.dma_semaphore, #tpu.memory_space<semaphore_mem>>)
      %mul3A_47 = arith.constant 256 : i32
      %mul3A_48 = arith.muli %scan3A_17, %mul3A_47 : i32
      %add3A_49 = arith.constant 0 : i32
      %add3A_50 = arith.addi %mul3A_48, %add3A_49 : i32
      %dma_start3A_51 = arith.constant 1 : i32
      %dma_start3A_52 = arith.constant 1 : i32
      %dma_start3A_53 = arith.constant 0 : i32
      %dma_start3A_54 = arith.constant 0 : i32
      %dma_start3A_55 = tpu.memref_slice %arg8[%dma_start3A_52, %dma_start3A_53, %dma_start3A_54] : memref<3x256x64xf32, #tpu.memory_space<vmem>> -> memref<1x128x64xf32, #tpu.memory_space<vmem>>
      %dma_start3A_56 = tpu.memref_squeeze %dma_start3A_55 : memref<1x128x64xf32, #tpu.memory_space<vmem>> -> memref<128x64xf32, #tpu.memory_space<vmem>>
      %dma_start3A_57 = tpu.memref_slice %arg7[%dma_start3A_51, %add3A_50] : memref<3x6400xi32, #tpu.memory_space<vmem>> -> memref<1x128xi32, #tpu.memory_space<vmem>>
      %dma_start3A_58 = tpu.memref_squeeze %dma_start3A_57 : memref<1x128xi32, #tpu.memory_space<vmem>> -> memref<128xi32, #tpu.memory_space<vmem>>
      %dma_start3A_59 = arith.constant 0 : i32
      %dma_start3A_60 = arith.constant 0 : i32
      %dma_start3A_61 = tpu.memref_slice %arg3[%dma_start3A_59, %dma_start3A_60] : memref<100000x64xf32, #tpu.memory_space<hbm>> -> memref<100000x64xf32, #tpu.memory_space<hbm>>
      tpu.enqueue_indirect_dma source(%dma_start3A_61 : memref<100000x64xf32, #tpu.memory_space<hbm>>) target(%dma_start3A_56 : memref<128x64xf32, #tpu.memory_space<vmem>>) offsets(%dma_start3A_58 : memref<128xi32, #tpu.memory_space<vmem>>) semaphore(%arg10 : memref<!tpu.dma_semaphore, #tpu.memory_space<semaphore_mem>>)
      %mul3A_62 = arith.constant 256 : i32
      %mul3A_63 = arith.muli %scan3A_17, %mul3A_62 : i32
      %add3A_64 = arith.constant 128 : i32
      %add3A_65 = arith.addi %mul3A_63, %add3A_64 : i32
      %dma_start3A_66 = arith.constant 1 : i32
      %dma_start3A_67 = arith.constant 1 : i32
      %dma_start3A_68 = arith.constant 128 : i32
      %dma_start3A_69 = arith.constant 0 : i32
      %dma_start3A_70 = tpu.memref_slice %arg8[%dma_start3A_67, %dma_start3A_68, %dma_start3A_69] : memref<3x256x64xf32, #tpu.memory_space<vmem>> -> memref<1x128x64xf32, #tpu.memory_space<vmem>>
      %dma_start3A_71 = tpu.memref_squeeze %dma_start3A_70 : memref<1x128x64xf32, #tpu.memory_space<vmem>> -> memref<128x64xf32, #tpu.memory_space<vmem>>
      %dma_start3A_72 = tpu.memref_slice %arg7[%dma_start3A_66, %add3A_65] : memref<3x6400xi32, #tpu.memory_space<vmem>> -> memref<1x128xi32, #tpu.memory_space<vmem>>
      %dma_start3A_73 = tpu.memref_squeeze %dma_start3A_72 : memref<1x128xi32, #tpu.memory_space<vmem>> -> memref<128xi32, #tpu.memory_space<vmem>>
      %dma_start3A_74 = arith.constant 0 : i32
      %dma_start3A_75 = arith.constant 0 : i32
      %dma_start3A_76 = tpu.memref_slice %arg3[%dma_start3A_74, %dma_start3A_75] : memref<100000x64xf32, #tpu.memory_space<hbm>> -> memref<100000x64xf32, #tpu.memory_space<hbm>>
      tpu.enqueue_indirect_dma source(%dma_start3A_76 : memref<100000x64xf32, #tpu.memory_space<hbm>>) target(%dma_start3A_71 : memref<128x64xf32, #tpu.memory_space<vmem>>) offsets(%dma_start3A_73 : memref<128xi32, #tpu.memory_space<vmem>>) semaphore(%arg10 : memref<!tpu.dma_semaphore, #tpu.memory_space<semaphore_mem>>)
      %mul3A_77 = arith.constant 256 : i32
      %mul3A_78 = arith.muli %scan3A_17, %mul3A_77 : i32
      %add3A_79 = arith.constant 0 : i32
      %add3A_80 = arith.addi %mul3A_78, %add3A_79 : i32
      %dma_start3A_81 = arith.constant 2 : i32
      %dma_start3A_82 = arith.constant 2 : i32
      %dma_start3A_83 = arith.constant 0 : i32
      %dma_start3A_84 = arith.constant 0 : i32
      %dma_start3A_85 = tpu.memref_slice %arg8[%dma_start3A_82, %dma_start3A_83, %dma_start3A_84] : memref<3x256x64xf32, #tpu.memory_space<vmem>> -> memref<1x128x64xf32, #tpu.memory_space<vmem>>
      %dma_start3A_86 = tpu.memref_squeeze %dma_start3A_85 : memref<1x128x64xf32, #tpu.memory_space<vmem>> -> memref<128x64xf32, #tpu.memory_space<vmem>>
      %dma_start3A_87 = tpu.memref_slice %arg7[%dma_start3A_81, %add3A_80] : memref<3x6400xi32, #tpu.memory_space<vmem>> -> memref<1x128xi32, #tpu.memory_space<vmem>>
      %dma_start3A_88 = tpu.memref_squeeze %dma_start3A_87 : memref<1x128xi32, #tpu.memory_space<vmem>> -> memref<128xi32, #tpu.memory_space<vmem>>
      %dma_start3A_89 = arith.constant 0 : i32
      %dma_start3A_90 = arith.constant 0 : i32
      %dma_start3A_91 = tpu.memref_slice %arg4[%dma_start3A_89, %dma_start3A_90] : memref<100000x64xf32, #tpu.memory_space<hbm>> -> memref<100000x64xf32, #tpu.memory_space<hbm>>
      tpu.enqueue_indirect_dma source(%dma_start3A_91 : memref<100000x64xf32, #tpu.memory_space<hbm>>) target(%dma_start3A_86 : memref<128x64xf32, #tpu.memory_space<vmem>>) offsets(%dma_start3A_88 : memref<128xi32, #tpu.memory_space<vmem>>) semaphore(%arg10 : memref<!tpu.dma_semaphore, #tpu.memory_space<semaphore_mem>>)
      %mul3A_92 = arith.constant 256 : i32
      %mul3A_93 = arith.muli %scan3A_17, %mul3A_92 : i32
      %add3A_94 = arith.constant 128 : i32
      %add3A_95 = arith.addi %mul3A_93, %add3A_94 : i32
      %dma_start3A_96 = arith.constant 2 : i32
      %dma_start3A_97 = arith.constant 2 : i32
      %dma_start3A_98 = arith.constant 128 : i32
      %dma_start3A_99 = arith.constant 0 : i32
      %dma_start3A_100 = tpu.memref_slice %arg8[%dma_start3A_97, %dma_start3A_98, %dma_start3A_99] : memref<3x256x64xf32, #tpu.memory_space<vmem>> -> memref<1x128x64xf32, #tpu.memory_space<vmem>>
      %dma_start3A_101 = tpu.memref_squeeze %dma_start3A_100 : memref<1x128x64xf32, #tpu.memory_space<vmem>> -> memref<128x64xf32, #tpu.memory_space<vmem>>
      %dma_start3A_102 = tpu.memref_slice %arg7[%dma_start3A_96, %add3A_95] : memref<3x6400xi32, #tpu.memory_space<vmem>> -> memref<1x128xi32, #tpu.memory_space<vmem>>
      %dma_start3A_103 = tpu.memref_squeeze %dma_start3A_102 : memref<1x128xi32, #tpu.memory_space<vmem>> -> memref<128xi32, #tpu.memory_space<vmem>>
      %dma_start3A_104 = arith.constant 0 : i32
      %dma_start3A_105 = arith.constant 0 : i32
      %dma_start3A_106 = tpu.memref_slice %arg4[%dma_start3A_104, %dma_start3A_105] : memref<100000x64xf32, #tpu.memory_space<hbm>> -> memref<100000x64xf32, #tpu.memory_space<hbm>>
      tpu.enqueue_indirect_dma source(%dma_start3A_106 : memref<100000x64xf32, #tpu.memory_space<hbm>>) target(%dma_start3A_101 : memref<128x64xf32, #tpu.memory_space<vmem>>) offsets(%dma_start3A_103 : memref<128xi32, #tpu.memory_space<vmem>>) semaphore(%arg10 : memref<!tpu.dma_semaphore, #tpu.memory_space<semaphore_mem>>)
      %dma_wait3A = arith.constant 0 : i32
      %dma_wait3A_107 = arith.constant 0 : i32
      %dma_wait3A_108 = arith.constant 0 : i32
      %dma_wait3A_109 = arith.constant 0 : i32
      %dma_wait3A_110 = tpu.memref_slice %arg8[%dma_wait3A_107, %dma_wait3A_108, %dma_wait3A_109] : memref<3x256x64xf32, #tpu.memory_space<vmem>> -> memref<1x128x64xf32, #tpu.memory_space<vmem>>
      %dma_wait3A_111 = tpu.memref_squeeze %dma_wait3A_110 : memref<1x128x64xf32, #tpu.memory_space<vmem>> -> memref<128x64xf32, #tpu.memory_space<vmem>>
      %dma_wait3A_112 = tpu.memref_slice %arg7[%dma_wait3A, %add3A_21] : memref<3x6400xi32, #tpu.memory_space<vmem>> -> memref<1x128xi32, #tpu.memory_space<vmem>>
      %dma_wait3A_113 = tpu.memref_squeeze %dma_wait3A_112 : memref<1x128xi32, #tpu.memory_space<vmem>> -> memref<128xi32, #tpu.memory_space<vmem>>
      %dma_wait3A_114 = arith.constant 0 : i32
      %dma_wait3A_115 = arith.constant 0 : i32
      %dma_wait3A_116 = tpu.memref_slice %arg2[%dma_wait3A_114, %dma_wait3A_115] : memref<100000x64xf32, #tpu.memory_space<hbm>> -> memref<100000x64xf32, #tpu.memory_space<hbm>>
      tpu.wait_indirect_dma semaphore(%arg10 : memref<!tpu.dma_semaphore, #tpu.memory_space<semaphore_mem>>) src(%dma_wait3A_116 : memref<100000x64xf32, #tpu.memory_space<hbm>>) dst(%dma_wait3A_111 : memref<128x64xf32, #tpu.memory_space<vmem>>)
      %dma_wait3A_117 = arith.constant 0 : i32
      %dma_wait3A_118 = arith.constant 0 : i32
      %dma_wait3A_119 = arith.constant 128 : i32
      %dma_wait3A_120 = arith.constant 0 : i32
      %dma_wait3A_121 = tpu.memref_slice %arg8[%dma_wait3A_118, %dma_wait3A_119, %dma_wait3A_120] : memref<3x256x64xf32, #tpu.memory_space<vmem>> -> memref<1x128x64xf32, #tpu.memory_space<vmem>>
      %dma_wait3A_122 = tpu.memref_squeeze %dma_wait3A_121 : memref<1x128x64xf32, #tpu.memory_space<vmem>> -> memref<128x64xf32, #tpu.memory_space<vmem>>
      %dma_wait3A_123 = tpu.memref_slice %arg7[%dma_wait3A_117, %add3A_35] : memref<3x6400xi32, #tpu.memory_space<vmem>> -> memref<1x128xi32, #tpu.memory_space<vmem>>
      %dma_wait3A_124 = tpu.memref_squeeze %dma_wait3A_123 : memref<1x128xi32, #tpu.memory_space<vmem>> -> memref<128xi32, #tpu.memory_space<vmem>>
      %dma_wait3A_125 = arith.constant 0 : i32
      %dma_wait3A_126 = arith.constant 0 : i32
      %dma_wait3A_127 = tpu.memref_slice %arg2[%dma_wait3A_125, %dma_wait3A_126] : memref<100000x64xf32, #tpu.memory_space<hbm>> -> memref<100000x64xf32, #tpu.memory_space<hbm>>
      tpu.wait_indirect_dma semaphore(%arg10 : memref<!tpu.dma_semaphore, #tpu.memory_space<semaphore_mem>>) src(%dma_wait3A_127 : memref<100000x64xf32, #tpu.memory_space<hbm>>) dst(%dma_wait3A_122 : memref<128x64xf32, #tpu.memory_space<vmem>>)
      %dma_wait3A_128 = arith.constant 1 : i32
      %dma_wait3A_129 = arith.constant 1 : i32
      %dma_wait3A_130 = arith.constant 0 : i32
      %dma_wait3A_131 = arith.constant 0 : i32
      %dma_wait3A_132 = tpu.memref_slice %arg8[%dma_wait3A_129, %dma_wait3A_130, %dma_wait3A_131] : memref<3x256x64xf32, #tpu.memory_space<vmem>> -> memref<1x128x64xf32, #tpu.memory_space<vmem>>
      %dma_wait3A_133 = tpu.memref_squeeze %dma_wait3A_132 : memref<1x128x64xf32, #tpu.memory_space<vmem>> -> memref<128x64xf32, #tpu.memory_space<vmem>>
      %dma_wait3A_134 = tpu.memref_slice %arg7[%dma_wait3A_128, %add3A_50] : memref<3x6400xi32, #tpu.memory_space<vmem>> -> memref<1x128xi32, #tpu.memory_space<vmem>>
      %dma_wait3A_135 = tpu.memref_squeeze %dma_wait3A_134 : memref<1x128xi32, #tpu.memory_space<vmem>> -> memref<128xi32, #tpu.memory_space<vmem>>
      %dma_wait3A_136 = arith.constant 0 : i32
      %dma_wait3A_137 = arith.constant 0 : i32
      %dma_wait3A_138 = tpu.memref_slice %arg3[%dma_wait3A_136, %dma_wait3A_137] : memref<100000x64xf32, #tpu.memory_space<hbm>> -> memref<100000x64xf32, #tpu.memory_space<hbm>>
      tpu.wait_indirect_dma semaphore(%arg10 : memref<!tpu.dma_semaphore, #tpu.memory_space<semaphore_mem>>) src(%dma_wait3A_138 : memref<100000x64xf32, #tpu.memory_space<hbm>>) dst(%dma_wait3A_133 : memref<128x64xf32, #tpu.memory_space<vmem>>)
      %dma_wait3A_139 = arith.constant 1 : i32
      %dma_wait3A_140 = arith.constant 1 : i32
      %dma_wait3A_141 = arith.constant 128 : i32
      %dma_wait3A_142 = arith.constant 0 : i32
      %dma_wait3A_143 = tpu.memref_slice %arg8[%dma_wait3A_140, %dma_wait3A_141, %dma_wait3A_142] : memref<3x256x64xf32, #tpu.memory_space<vmem>> -> memref<1x128x64xf32, #tpu.memory_space<vmem>>
      %dma_wait3A_144 = tpu.memref_squeeze %dma_wait3A_143 : memref<1x128x64xf32, #tpu.memory_space<vmem>> -> memref<128x64xf32, #tpu.memory_space<vmem>>
      %dma_wait3A_145 = tpu.memref_slice %arg7[%dma_wait3A_139, %add3A_65] : memref<3x6400xi32, #tpu.memory_space<vmem>> -> memref<1x128xi32, #tpu.memory_space<vmem>>
      %dma_wait3A_146 = tpu.memref_squeeze %dma_wait3A_145 : memref<1x128xi32, #tpu.memory_space<vmem>> -> memref<128xi32, #tpu.memory_space<vmem>>
      %dma_wait3A_147 = arith.constant 0 : i32
      %dma_wait3A_148 = arith.constant 0 : i32
      %dma_wait3A_149 = tpu.memref_slice %arg3[%dma_wait3A_147, %dma_wait3A_148] : memref<100000x64xf32, #tpu.memory_space<hbm>> -> memref<100000x64xf32, #tpu.memory_space<hbm>>
      tpu.wait_indirect_dma semaphore(%arg10 : memref<!tpu.dma_semaphore, #tpu.memory_space<semaphore_mem>>) src(%dma_wait3A_149 : memref<100000x64xf32, #tpu.memory_space<hbm>>) dst(%dma_wait3A_144 : memref<128x64xf32, #tpu.memory_space<vmem>>)
      %dma_wait3A_150 = arith.constant 2 : i32
      %dma_wait3A_151 = arith.constant 2 : i32
      %dma_wait3A_152 = arith.constant 0 : i32
      %dma_wait3A_153 = arith.constant 0 : i32
      %dma_wait3A_154 = tpu.memref_slice %arg8[%dma_wait3A_151, %dma_wait3A_152, %dma_wait3A_153] : memref<3x256x64xf32, #tpu.memory_space<vmem>> -> memref<1x128x64xf32, #tpu.memory_space<vmem>>
      %dma_wait3A_155 = tpu.memref_squeeze %dma_wait3A_154 : memref<1x128x64xf32, #tpu.memory_space<vmem>> -> memref<128x64xf32, #tpu.memory_space<vmem>>
      %dma_wait3A_156 = tpu.memref_slice %arg7[%dma_wait3A_150, %add3A_80] : memref<3x6400xi32, #tpu.memory_space<vmem>> -> memref<1x128xi32, #tpu.memory_space<vmem>>
      %dma_wait3A_157 = tpu.memref_squeeze %dma_wait3A_156 : memref<1x128xi32, #tpu.memory_space<vmem>> -> memref<128xi32, #tpu.memory_space<vmem>>
      %dma_wait3A_158 = arith.constant 0 : i32
      %dma_wait3A_159 = arith.constant 0 : i32
      %dma_wait3A_160 = tpu.memref_slice %arg4[%dma_wait3A_158, %dma_wait3A_159] : memref<100000x64xf32, #tpu.memory_space<hbm>> -> memref<100000x64xf32, #tpu.memory_space<hbm>>
      tpu.wait_indirect_dma semaphore(%arg10 : memref<!tpu.dma_semaphore, #tpu.memory_space<semaphore_mem>>) src(%dma_wait3A_160 : memref<100000x64xf32, #tpu.memory_space<hbm>>) dst(%dma_wait3A_155 : memref<128x64xf32, #tpu.memory_space<vmem>>)
      %dma_wait3A_161 = arith.constant 2 : i32
      %dma_wait3A_162 = arith.constant 2 : i32
      %dma_wait3A_163 = arith.constant 128 : i32
      %dma_wait3A_164 = arith.constant 0 : i32
      %dma_wait3A_165 = tpu.memref_slice %arg8[%dma_wait3A_162, %dma_wait3A_163, %dma_wait3A_164] : memref<3x256x64xf32, #tpu.memory_space<vmem>> -> memref<1x128x64xf32, #tpu.memory_space<vmem>>
      %dma_wait3A_166 = tpu.memref_squeeze %dma_wait3A_165 : memref<1x128x64xf32, #tpu.memory_space<vmem>> -> memref<128x64xf32, #tpu.memory_space<vmem>>
      %dma_wait3A_167 = tpu.memref_slice %arg7[%dma_wait3A_161, %add3A_95] : memref<3x6400xi32, #tpu.memory_space<vmem>> -> memref<1x128xi32, #tpu.memory_space<vmem>>
      %dma_wait3A_168 = tpu.memref_squeeze %dma_wait3A_167 : memref<1x128xi32, #tpu.memory_space<vmem>> -> memref<128xi32, #tpu.memory_space<vmem>>
      %dma_wait3A_169 = arith.constant 0 : i32
      %dma_wait3A_170 = arith.constant 0 : i32
      %dma_wait3A_171 = tpu.memref_slice %arg4[%dma_wait3A_169, %dma_wait3A_170] : memref<100000x64xf32, #tpu.memory_space<hbm>> -> memref<100000x64xf32, #tpu.memory_space<hbm>>
      tpu.wait_indirect_dma semaphore(%arg10 : memref<!tpu.dma_semaphore, #tpu.memory_space<semaphore_mem>>) src(%dma_wait3A_171 : memref<100000x64xf32, #tpu.memory_space<hbm>>) dst(%dma_wait3A_166 : memref<128x64xf32, #tpu.memory_space<vmem>>)
      %scan3A_172 = arith.constant 0 : i32
      %scan3A_173 = arith.constant 0 : i32
      %scan3A_174 = arith.constant 256 : i32
      %scan3A_175 = arith.addi %scan3A_173, %scan3A_174 : i32
      %scan3A_176 = arith.constant 1 : i32
      scf.for %scan3A_183 = %scan3A_173 to %scan3A_175 step %scan3A_176  : i32 {
        %get3A = arith.constant 0 : i32
        %get3A_184 = arith.index_cast %get3A : i32 to index
        %get3A_185 = arith.index_cast %scan3A_183 : i32 to index
        %get3A_186 = arith.constant 0 : index
        %get3A_187 = tpu.vector_load %arg8[%get3A_184, %get3A_185, %get3A_186] {strides = array<i32>} : memref<3x256x64xf32, #tpu.memory_space<vmem>>, vector<1x1x16xf32>,
        %get3A_188 = vector.shape_cast %get3A_187 : vector<1x1x16xf32> to vector<16xf32>
        %get3A_189 = arith.constant 1 : i32
        %get3A_190 = arith.index_cast %get3A_189 : i32 to index
        %get3A_191 = arith.index_cast %scan3A_183 : i32 to index
        %get3A_192 = arith.constant 0 : index
        %get3A_193 = tpu.vector_load %arg8[%get3A_190, %get3A_191, %get3A_192] {strides = array<i32>} : memref<3x256x64xf32, #tpu.memory_space<vmem>>, vector<1x1x16xf32>,
        %get3A_194 = vector.shape_cast %get3A_193 : vector<1x1x16xf32> to vector<16xf32>
        %add3A_195 = arith.addf %get3A_188, %get3A_194 : vector<16xf32>
        %get3A_196 = arith.constant 2 : i32
        %get3A_197 = arith.index_cast %get3A_196 : i32 to index
        %get3A_198 = arith.index_cast %scan3A_183 : i32 to index
        %get3A_199 = arith.constant 0 : index
        %get3A_200 = tpu.vector_load %arg8[%get3A_197, %get3A_198, %get3A_199] {strides = array<i32>} : memref<3x256x64xf32, #tpu.memory_space<vmem>>, vector<1x1x16xf32>,
        %get3A_201 = vector.shape_cast %get3A_200 : vector<1x1x16xf32> to vector<16xf32>
        %add3A_202 = arith.addf %add3A_195, %get3A_201 : vector<16xf32>
        %swap3A = arith.index_cast %scan3A_183 : i32 to index
        %swap3A_203 = arith.constant 0 : index
        %swap3A_204 = tpu.vector_load %arg9[%swap3A, %swap3A_203] {strides = array<i32>} : memref<256x64xf32, #tpu.memory_space<vmem>>, vector<1x16xf32>,
        %swap3A_205 = vector.shape_cast %swap3A_204 : vector<1x16xf32> to vector<16xf32>
        %swap3A_206 = vector.shape_cast %add3A_202 : vector<16xf32> to vector<1x16xf32>
        tpu.vector_store %arg9[%swap3A, %swap3A_203], %swap3A_206 {strides = array<i32>} : memref<256x64xf32, #tpu.memory_space<vmem>>, vector<1x16xf32>,
        %get3A_207 = arith.constant 0 : i32
        %get3A_208 = arith.index_cast %get3A_207 : i32 to index
        %get3A_209 = arith.index_cast %scan3A_183 : i32 to index
        %get3A_210 = arith.constant 16 : index
        %get3A_211 = tpu.vector_load %arg8[%get3A_208, %get3A_209, %get3A_210] {strides = array<i32>} : memref<3x256x64xf32, #tpu.memory_space<vmem>>, vector<1x1x16xf32>,
        %get3A_212 = vector.shape_cast %get3A_211 : vector<1x1x16xf32> to vector<16xf32>
        %get3A_213 = arith.constant 1 : i32
        %get3A_214 = arith.index_cast %get3A_213 : i32 to index
        %get3A_215 = arith.index_cast %scan3A_183 : i32 to index
        %get3A_216 = arith.constant 16 : index
        %get3A_217 = tpu.vector_load %arg8[%get3A_214, %get3A_215, %get3A_216] {strides = array<i32>} : memref<3x256x64xf32, #tpu.memory_space<vmem>>, vector<1x1x16xf32>,
        %get3A_218 = vector.shape_cast %get3A_217 : vector<1x1x16xf32> to vector<16xf32>
        %add3A_219 = arith.addf %get3A_212, %get3A_218 : vector<16xf32>
        %get3A_220 = arith.constant 2 : i32
        %get3A_221 = arith.index_cast %get3A_220 : i32 to index
        %get3A_222 = arith.index_cast %scan3A_183 : i32 to index
        %get3A_223 = arith.constant 16 : index
        %get3A_224 = tpu.vector_load %arg8[%get3A_221, %get3A_222, %get3A_223] {strides = array<i32>} : memref<3x256x64xf32, #tpu.memory_space<vmem>>, vector<1x1x16xf32>,
        %get3A_225 = vector.shape_cast %get3A_224 : vector<1x1x16xf32> to vector<16xf32>
        %add3A_226 = arith.addf %add3A_219, %get3A_225 : vector<16xf32>
        %swap3A_227 = arith.index_cast %scan3A_183 : i32 to index
        %swap3A_228 = arith.constant 16 : index
        %swap3A_229 = tpu.vector_load %arg9[%swap3A_227, %swap3A_228] {strides = array<i32>} : memref<256x64xf32, #tpu.memory_space<vmem>>, vector<1x16xf32>,
        %swap3A_230 = vector.shape_cast %swap3A_229 : vector<1x16xf32> to vector<16xf32>
        %swap3A_231 = vector.shape_cast %add3A_226 : vector<16xf32> to vector<1x16xf32>
        tpu.vector_store %arg9[%swap3A_227, %swap3A_228], %swap3A_231 {strides = array<i32>} : memref<256x64xf32, #tpu.memory_space<vmem>>, vector<1x16xf32>,
        %get3A_232 = arith.constant 0 : i32
        %get3A_233 = arith.index_cast %get3A_232 : i32 to index
        %get3A_234 = arith.index_cast %scan3A_183 : i32 to index
        %get3A_235 = arith.constant 32 : index
        %get3A_236 = tpu.vector_load %arg8[%get3A_233, %get3A_234, %get3A_235] {strides = array<i32>} : memref<3x256x64xf32, #tpu.memory_space<vmem>>, vector<1x1x16xf32>,
        %get3A_237 = vector.shape_cast %get3A_236 : vector<1x1x16xf32> to vector<16xf32>
        %get3A_238 = arith.constant 1 : i32
        %get3A_239 = arith.index_cast %get3A_238 : i32 to index
        %get3A_240 = arith.index_cast %scan3A_183 : i32 to index
        %get3A_241 = arith.constant 32 : index
        %get3A_242 = tpu.vector_load %arg8[%get3A_239, %get3A_240, %get3A_241] {strides = array<i32>} : memref<3x256x64xf32, #tpu.memory_space<vmem>>, vector<1x1x16xf32>,
        %get3A_243 = vector.shape_cast %get3A_242 : vector<1x1x16xf32> to vector<16xf32>
        %add3A_244 = arith.addf %get3A_237, %get3A_243 : vector<16xf32>
        %get3A_245 = arith.constant 2 : i32
        %get3A_246 = arith.index_cast %get3A_245 : i32 to index
        %get3A_247 = arith.index_cast %scan3A_183 : i32 to index
        %get3A_248 = arith.constant 32 : index
        %get3A_249 = tpu.vector_load %arg8[%get3A_246, %get3A_247, %get3A_248] {strides = array<i32>} : memref<3x256x64xf32, #tpu.memory_space<vmem>>, vector<1x1x16xf32>,
        %get3A_250 = vector.shape_cast %get3A_249 : vector<1x1x16xf32> to vector<16xf32>
        %add3A_251 = arith.addf %add3A_244, %get3A_250 : vector<16xf32>
        %swap3A_252 = arith.index_cast %scan3A_183 : i32 to index
        %swap3A_253 = arith.constant 32 : index
        %swap3A_254 = tpu.vector_load %arg9[%swap3A_252, %swap3A_253] {strides = array<i32>} : memref<256x64xf32, #tpu.memory_space<vmem>>, vector<1x16xf32>,
        %swap3A_255 = vector.shape_cast %swap3A_254 : vector<1x16xf32> to vector<16xf32>
        %swap3A_256 = vector.shape_cast %add3A_251 : vector<16xf32> to vector<1x16xf32>
        tpu.vector_store %arg9[%swap3A_252, %swap3A_253], %swap3A_256 {strides = array<i32>} : memref<256x64xf32, #tpu.memory_space<vmem>>, vector<1x16xf32>,
        %get3A_257 = arith.constant 0 : i32
        %get3A_258 = arith.index_cast %get3A_257 : i32 to index
        %get3A_259 = arith.index_cast %scan3A_183 : i32 to index
        %get3A_260 = arith.constant 48 : index
        %get3A_261 = tpu.vector_load %arg8[%get3A_258, %get3A_259, %get3A_260] {strides = array<i32>} : memref<3x256x64xf32, #tpu.memory_space<vmem>>, vector<1x1x16xf32>,
        %get3A_262 = vector.shape_cast %get3A_261 : vector<1x1x16xf32> to vector<16xf32>
        %get3A_263 = arith.constant 1 : i32
        %get3A_264 = arith.index_cast %get3A_263 : i32 to index
        %get3A_265 = arith.index_cast %scan3A_183 : i32 to index
        %get3A_266 = arith.constant 48 : index
        %get3A_267 = tpu.vector_load %arg8[%get3A_264, %get3A_265, %get3A_266] {strides = array<i32>} : memref<3x256x64xf32, #tpu.memory_space<vmem>>, vector<1x1x16xf32>,
        %get3A_268 = vector.shape_cast %get3A_267 : vector<1x1x16xf32> to vector<16xf32>
        %add3A_269 = arith.addf %get3A_262, %get3A_268 : vector<16xf32>
        %get3A_270 = arith.constant 2 : i32
        %get3A_271 = arith.index_cast %get3A_270 : i32 to index
        %get3A_272 = arith.index_cast %scan3A_183 : i32 to index
        %get3A_273 = arith.constant 48 : index
        %get3A_274 = tpu.vector_load %arg8[%get3A_271, %get3A_272, %get3A_273] {strides = array<i32>} : memref<3x256x64xf32, #tpu.memory_space<vmem>>, vector<1x1x16xf32>,
        %get3A_275 = vector.shape_cast %get3A_274 : vector<1x1x16xf32> to vector<16xf32>
        %add3A_276 = arith.addf %add3A_269, %get3A_275 : vector<16xf32>
        %swap3A_277 = arith.index_cast %scan3A_183 : i32 to index
        %swap3A_278 = arith.constant 48 : index
        %swap3A_279 = tpu.vector_load %arg9[%swap3A_277, %swap3A_278] {strides = array<i32>} : memref<256x64xf32, #tpu.memory_space<vmem>>, vector<1x16xf32>,
        %swap3A_280 = vector.shape_cast %swap3A_279 : vector<1x16xf32> to vector<16xf32>
        %swap3A_281 = vector.shape_cast %add3A_276 : vector<16xf32> to vector<1x16xf32>
        tpu.vector_store %arg9[%swap3A_277, %swap3A_278], %swap3A_281 {strides = array<i32>} : memref<256x64xf32, #tpu.memory_space<vmem>>, vector<1x16xf32>,
      }
      %scan3A_177 = arith.constant 256 : i32
      %mul3A_178 = arith.constant 25 : i32
      %mul3A_179 = arith.muli %add3A, %mul3A_178 : i32
      %add3A_180 = arith.addi %mul3A_179, %scan3A_17 : i32
      %mul3A_181 = arith.constant 256 : i32
      %mul3A_182 = arith.muli %add3A_180, %mul3A_181 : i32
      "tpu.region"() ({
        %run_scoped3A_183 = tpu.sem_alloc : memref<!tpu.dma_semaphore, #tpu.memory_space<semaphore_mem>>
        %dma_start3A_184 = arith.constant 0 : i32
        %dma_start3A_185 = tpu.memref_slice %arg6[%mul3A_182, %dma_start3A_184] : memref<204800x64xf32, #tpu.memory_space<hbm>> -> memref<256x64xf32, #tpu.memory_space<hbm>>
        %dma_start3A_186 = arith.constant 0 : i32
        %dma_start3A_187 = tpu.memref_slice %arg6[%mul3A_182, %dma_start3A_186] : memref<204800x64xf32, #tpu.memory_space<hbm>> -> memref<256x64xf32, #tpu.memory_space<hbm>>
        tpu.enqueue_dma source(%arg9 : memref<256x64xf32, #tpu.memory_space<vmem>>) target(%dma_start3A_187 : memref<256x64xf32, #tpu.memory_space<hbm>>) target_semaphore(%run_scoped3A_183 : memref<!tpu.dma_semaphore, #tpu.memory_space<semaphore_mem>>)
        %dma_wait3A_188 = arith.constant 0 : i32
        %dma_wait3A_189 = tpu.memref_slice %arg6[%mul3A_182, %dma_wait3A_188] : memref<204800x64xf32, #tpu.memory_space<hbm>> -> memref<256x64xf32, #tpu.memory_space<hbm>>
        %dma_wait3A_190 = arith.constant 0 : i32
        %dma_wait3A_191 = tpu.memref_slice %arg6[%mul3A_182, %dma_wait3A_190] : memref<204800x64xf32, #tpu.memory_space<hbm>> -> memref<256x64xf32, #tpu.memory_space<hbm>>
        tpu.wait_dma2 semaphore(%run_scoped3A_183 : memref<!tpu.dma_semaphore, #tpu.memory_space<semaphore_mem>>) src(%arg9 : memref<256x64xf32, #tpu.memory_space<vmem>>) dst(%dma_wait3A_191 : memref<256x64xf32, #tpu.memory_space<hbm>>)
        tpu.yield
      }) : () -> ()
    }
    %scan3A_16 = arith.constant 25 : i32
    return
  }
}

module attributes {stable_mosaic.version = 14 : i64} {
  func.func @_mixer_body(%arg0: i32, %arg1: memref<8192x64xf32, #tpu.memory_space<vmem>>, %arg2: memref<64x1024xf32, #tpu.memory_space<vmem>>, %arg3: memref<8x1024xi32, #tpu.memory_space<vmem>>, %arg4: memref<256x64xf32, #tpu.memory_space<vmem>>, %arg5: memref<1x64xf32, #tpu.memory_space<vmem>>, %arg6: memref<8192x64xf32, #tpu.memory_space<vmem>>, %arg7: memref<8x1024xi32, #tpu.memory_space<vmem>>) attributes {dimension_semantics = [#tpu.dimension_semantics<arbitrary>], iteration_bounds = array<i64: 25>, scalar_prefetch = 0 : i64, scratch_operands = 0 : i64, tpu.core_type = #tpu.core_type<tc>, window_params = [{transform_indices = @transform_0, window_bounds = array<i64: 8192, 64>}, {transform_indices = @transform_1, window_bounds = array<i64: 64, 1024>}, {transform_indices = @transform_2, window_bounds = array<i64: 8, 1024>}, {pipeline_mode = #tpu.pipeline_mode<synchronous>, transform_indices = @transform_3, window_bounds = array<i64: 256, 64>}, {pipeline_mode = #tpu.pipeline_mode<synchronous>, transform_indices = @transform_4, window_bounds = array<i64: 1, 64>}, {transform_indices = @transform_5, window_bounds = array<i64: 8192, 64>}, {transform_indices = @transform_6, window_bounds = array<i64: 8, 1024>}]} {
    %get3A = arith.constant 0 : index
    %get3A_0 = arith.constant 0 : index
    %get3A_1 = vector.load %arg2[%get3A, %get3A_0] : memref<64x1024xf32, #tpu.memory_space<vmem>>, vector<64x1024xf32>
    %mul3A = arith.constant 3.14159274 : f32
    %mul3A_2 = vector.broadcast %mul3A : f32 to vector<64x1024xf32>
    %mul3A_3 = arith.mulf %get3A_1, %mul3A_2 : vector<64x1024xf32>
    %sin3A = math.sin %mul3A_3 : vector<64x1024xf32>
    %cos3A = math.cos %mul3A_3 : vector<64x1024xf32>
    %add3A = arith.addf %cos3A, %cos3A : vector<64x1024xf32>
    %mul3A_4 = arith.mulf %add3A, %sin3A : vector<64x1024xf32>
    %mul3A_5 = arith.mulf %add3A, %cos3A : vector<64x1024xf32>
    %sub3A = arith.constant 1.000000e+00 : f32
    %sub3A_6 = vector.broadcast %sub3A : f32 to vector<64x1024xf32>
    %sub3A_7 = arith.subf %mul3A_5, %sub3A_6 : vector<64x1024xf32>
    %mul3A_8 = arith.mulf %add3A, %mul3A_4 : vector<64x1024xf32>
    %sub3A_9 = arith.subf %mul3A_8, %sin3A : vector<64x1024xf32>
    %mul3A_10 = arith.mulf %add3A, %sub3A_7 : vector<64x1024xf32>
    %sub3A_11 = arith.subf %mul3A_10, %cos3A : vector<64x1024xf32>
    %mul3A_12 = arith.mulf %add3A, %sub3A_9 : vector<64x1024xf32>
    %sub3A_13 = arith.subf %mul3A_12, %mul3A_4 : vector<64x1024xf32>
    %mul3A_14 = arith.mulf %add3A, %sub3A_11 : vector<64x1024xf32>
    %sub3A_15 = arith.subf %mul3A_14, %sub3A_7 : vector<64x1024xf32>
    %mul3A_16 = arith.mulf %add3A, %sub3A_13 : vector<64x1024xf32>
    %sub3A_17 = arith.subf %mul3A_16, %sub3A_9 : vector<64x1024xf32>
    %mul3A_18 = arith.mulf %add3A, %sub3A_15 : vector<64x1024xf32>
    %sub3A_19 = arith.subf %mul3A_18, %sub3A_11 : vector<64x1024xf32>
    %mul3A_20 = arith.mulf %add3A, %sub3A_17 : vector<64x1024xf32>
    %sub3A_21 = arith.subf %mul3A_20, %sub3A_13 : vector<64x1024xf32>
    %mul3A_22 = arith.mulf %add3A, %sub3A_19 : vector<64x1024xf32>
    %sub3A_23 = arith.subf %mul3A_22, %sub3A_15 : vector<64x1024xf32>
    %mul3A_24 = arith.mulf %add3A, %sub3A_21 : vector<64x1024xf32>
    %sub3A_25 = arith.subf %mul3A_24, %sub3A_17 : vector<64x1024xf32>
    %mul3A_26 = arith.mulf %add3A, %sub3A_23 : vector<64x1024xf32>
    %sub3A_27 = arith.subf %mul3A_26, %sub3A_19 : vector<64x1024xf32>
    %mul3A_28 = arith.mulf %add3A, %sub3A_25 : vector<64x1024xf32>
    %sub3A_29 = arith.subf %mul3A_28, %sub3A_21 : vector<64x1024xf32>
    %mul3A_30 = arith.mulf %add3A, %sub3A_27 : vector<64x1024xf32>
    %sub3A_31 = arith.subf %mul3A_30, %sub3A_23 : vector<64x1024xf32>
    %mul3A_32 = arith.mulf %add3A, %sub3A_29 : vector<64x1024xf32>
    %sub3A_33 = arith.subf %mul3A_32, %sub3A_25 : vector<64x1024xf32>
    %mul3A_34 = arith.mulf %add3A, %sub3A_31 : vector<64x1024xf32>
    %sub3A_35 = arith.subf %mul3A_34, %sub3A_27 : vector<64x1024xf32>
    %mul3A_36 = arith.mulf %add3A, %sub3A_33 : vector<64x1024xf32>
    %sub3A_37 = arith.subf %mul3A_36, %sub3A_29 : vector<64x1024xf32>
    %mul3A_38 = arith.mulf %add3A, %sub3A_35 : vector<64x1024xf32>
    %sub3A_39 = arith.subf %mul3A_38, %sub3A_31 : vector<64x1024xf32>
    %mul3A_40 = arith.mulf %add3A, %sub3A_37 : vector<64x1024xf32>
    %sub3A_41 = arith.subf %mul3A_40, %sub3A_33 : vector<64x1024xf32>
    %mul3A_42 = arith.mulf %add3A, %sub3A_39 : vector<64x1024xf32>
    %sub3A_43 = arith.subf %mul3A_42, %sub3A_35 : vector<64x1024xf32>
    %mul3A_44 = arith.mulf %add3A, %sub3A_41 : vector<64x1024xf32>
    %sub3A_45 = arith.subf %mul3A_44, %sub3A_37 : vector<64x1024xf32>
    %mul3A_46 = arith.mulf %add3A, %sub3A_43 : vector<64x1024xf32>
    %sub3A_47 = arith.subf %mul3A_46, %sub3A_39 : vector<64x1024xf32>
    %mul3A_48 = arith.mulf %add3A, %sub3A_45 : vector<64x1024xf32>
    %sub3A_49 = arith.subf %mul3A_48, %sub3A_41 : vector<64x1024xf32>
    %mul3A_50 = arith.mulf %add3A, %sub3A_47 : vector<64x1024xf32>
    %sub3A_51 = arith.subf %mul3A_50, %sub3A_43 : vector<64x1024xf32>
    %mul3A_52 = arith.mulf %add3A, %sub3A_49 : vector<64x1024xf32>
    %sub3A_53 = arith.subf %mul3A_52, %sub3A_45 : vector<64x1024xf32>
    %mul3A_54 = arith.mulf %add3A, %sub3A_51 : vector<64x1024xf32>
    %sub3A_55 = arith.subf %mul3A_54, %sub3A_47 : vector<64x1024xf32>
    %mul3A_56 = arith.mulf %add3A, %sub3A_53 : vector<64x1024xf32>
    %sub3A_57 = arith.subf %mul3A_56, %sub3A_49 : vector<64x1024xf32>
    %mul3A_58 = arith.mulf %add3A, %sub3A_55 : vector<64x1024xf32>
    %sub3A_59 = arith.subf %mul3A_58, %sub3A_51 : vector<64x1024xf32>
    %mul3A_60 = arith.mulf %add3A, %sub3A_57 : vector<64x1024xf32>
    %sub3A_61 = arith.subf %mul3A_60, %sub3A_53 : vector<64x1024xf32>
    %mul3A_62 = arith.mulf %add3A, %sub3A_59 : vector<64x1024xf32>
    %sub3A_63 = arith.subf %mul3A_62, %sub3A_55 : vector<64x1024xf32>
    %get3A_64 = arith.constant 0 : index
    %get3A_65 = arith.constant 0 : index
    %get3A_66 = vector.load %arg4[%get3A_64, %get3A_65] : memref<256x64xf32, #tpu.memory_space<vmem>>, vector<256x64xf32>
    %get3A_67 = arith.constant 0 : index
    %get3A_68 = arith.constant 0 : index
    %get3A_69 = vector.load %arg5[%get3A_67, %get3A_68] : memref<1x64xf32, #tpu.memory_space<vmem>>, vector<1x64xf32>
    %slice3A = vector.extract_strided_slice %sin3A {offsets = [0, 0], sizes = [8, 1024], strides = [1, 1]} : vector<64x1024xf32> to vector<8x1024xf32>
    %slice3A_70 = vector.extract_strided_slice %mul3A_4 {offsets = [0, 0], sizes = [8, 1024], strides = [1, 1]} : vector<64x1024xf32> to vector<8x1024xf32>
    %slice3A_71 = vector.extract_strided_slice %sub3A_9 {offsets = [0, 0], sizes = [8, 1024], strides = [1, 1]} : vector<64x1024xf32> to vector<8x1024xf32>
    %slice3A_72 = vector.extract_strided_slice %sub3A_13 {offsets = [0, 0], sizes = [8, 1024], strides = [1, 1]} : vector<64x1024xf32> to vector<8x1024xf32>
    %slice3A_73 = vector.extract_strided_slice %sub3A_17 {offsets = [0, 0], sizes = [8, 1024], strides = [1, 1]} : vector<64x1024xf32> to vector<8x1024xf32>
    %slice3A_74 = vector.extract_strided_slice %sub3A_21 {offsets = [0, 0], sizes = [8, 1024], strides = [1, 1]} : vector<64x1024xf32> to vector<8x1024xf32>
    %slice3A_75 = vector.extract_strided_slice %sub3A_25 {offsets = [0, 0], sizes = [8, 1024], strides = [1, 1]} : vector<64x1024xf32> to vector<8x1024xf32>
    %slice3A_76 = vector.extract_strided_slice %sub3A_29 {offsets = [0, 0], sizes = [8, 1024], strides = [1, 1]} : vector<64x1024xf32> to vector<8x1024xf32>
    %slice3A_77 = vector.extract_strided_slice %sub3A_33 {offsets = [0, 0], sizes = [8, 1024], strides = [1, 1]} : vector<64x1024xf32> to vector<8x1024xf32>
    %slice3A_78 = vector.extract_strided_slice %sub3A_37 {offsets = [0, 0], sizes = [8, 1024], strides = [1, 1]} : vector<64x1024xf32> to vector<8x1024xf32>
    %slice3A_79 = vector.extract_strided_slice %sub3A_41 {offsets = [0, 0], sizes = [8, 1024], strides = [1, 1]} : vector<64x1024xf32> to vector<8x1024xf32>
    %slice3A_80 = vector.extract_strided_slice %sub3A_45 {offsets = [0, 0], sizes = [8, 1024], strides = [1, 1]} : vector<64x1024xf32> to vector<8x1024xf32>
    %slice3A_81 = vector.extract_strided_slice %sub3A_49 {offsets = [0, 0], sizes = [8, 1024], strides = [1, 1]} : vector<64x1024xf32> to vector<8x1024xf32>
    %slice3A_82 = vector.extract_strided_slice %sub3A_53 {offsets = [0, 0], sizes = [8, 1024], strides = [1, 1]} : vector<64x1024xf32> to vector<8x1024xf32>
    %slice3A_83 = vector.extract_strided_slice %sub3A_57 {offsets = [0, 0], sizes = [8, 1024], strides = [1, 1]} : vector<64x1024xf32> to vector<8x1024xf32>
    %slice3A_84 = vector.extract_strided_slice %sub3A_61 {offsets = [0, 0], sizes = [8, 1024], strides = [1, 1]} : vector<64x1024xf32> to vector<8x1024xf32>
    %slice3A_85 = vector.extract_strided_slice %cos3A {offsets = [0, 0], sizes = [8, 1024], strides = [1, 1]} : vector<64x1024xf32> to vector<8x1024xf32>
    %slice3A_86 = vector.extract_strided_slice %sub3A_7 {offsets = [0, 0], sizes = [8, 1024], strides = [1, 1]} : vector<64x1024xf32> to vector<8x1024xf32>
    %slice3A_87 = vector.extract_strided_slice %sub3A_11 {offsets = [0, 0], sizes = [8, 1024], strides = [1, 1]} : vector<64x1024xf32> to vector<8x1024xf32>
    %slice3A_88 = vector.extract_strided_slice %sub3A_15 {offsets = [0, 0], sizes = [8, 1024], strides = [1, 1]} : vector<64x1024xf32> to vector<8x1024xf32>
    %slice3A_89 = vector.extract_strided_slice %sub3A_19 {offsets = [0, 0], sizes = [8, 1024], strides = [1, 1]} : vector<64x1024xf32> to vector<8x1024xf32>
    %slice3A_90 = vector.extract_strided_slice %sub3A_23 {offsets = [0, 0], sizes = [8, 1024], strides = [1, 1]} : vector<64x1024xf32> to vector<8x1024xf32>
    %slice3A_91 = vector.extract_strided_slice %sub3A_27 {offsets = [0, 0], sizes = [8, 1024], strides = [1, 1]} : vector<64x1024xf32> to vector<8x1024xf32>
    %slice3A_92 = vector.extract_strided_slice %sub3A_31 {offsets = [0, 0], sizes = [8, 1024], strides = [1, 1]} : vector<64x1024xf32> to vector<8x1024xf32>
    %slice3A_93 = vector.extract_strided_slice %sub3A_35 {offsets = [0, 0], sizes = [8, 1024], strides = [1, 1]} : vector<64x1024xf32> to vector<8x1024xf32>
    %slice3A_94 = vector.extract_strided_slice %sub3A_39 {offsets = [0, 0], sizes = [8, 1024], strides = [1, 1]} : vector<64x1024xf32> to vector<8x1024xf32>
    %slice3A_95 = vector.extract_strided_slice %sub3A_43 {offsets = [0, 0], sizes = [8, 1024], strides = [1, 1]} : vector<64x1024xf32> to vector<8x1024xf32>
    %slice3A_96 = vector.extract_strided_slice %sub3A_47 {offsets = [0, 0], sizes = [8, 1024], strides = [1, 1]} : vector<64x1024xf32> to vector<8x1024xf32>
    %slice3A_97 = vector.extract_strided_slice %sub3A_51 {offsets = [0, 0], sizes = [8, 1024], strides = [1, 1]} : vector<64x1024xf32> to vector<8x1024xf32>
    %slice3A_98 = vector.extract_strided_slice %sub3A_55 {offsets = [0, 0], sizes = [8, 1024], strides = [1, 1]} : vector<64x1024xf32> to vector<8x1024xf32>
    %slice3A_99 = vector.extract_strided_slice %sub3A_59 {offsets = [0, 0], sizes = [8, 1024], strides = [1, 1]} : vector<64x1024xf32> to vector<8x1024xf32>
    %slice3A_100 = vector.extract_strided_slice %sub3A_63 {offsets = [0, 0], sizes = [8, 1024], strides = [1, 1]} : vector<64x1024xf32> to vector<8x1024xf32>
    %concatenate3A = tpu.concatenate %slice3A, %slice3A_70, %slice3A_71, %slice3A_72, %slice3A_73, %slice3A_74, %slice3A_75, %slice3A_76, %slice3A_77, %slice3A_78, %slice3A_79, %slice3A_80, %slice3A_81, %slice3A_82, %slice3A_83, %slice3A_84, %slice3A_85, %slice3A_86, %slice3A_87, %slice3A_88, %slice3A_89, %slice3A_90, %slice3A_91, %slice3A_92, %slice3A_93, %slice3A_94, %slice3A_95, %slice3A_96, %slice3A_97, %slice3A_98, %slice3A_99, %slice3A_100 in 0 : vector<8x1024xf32>, vector<8x1024xf32>, vector<8x1024xf32>, vector<8x1024xf32>, vector<8x1024xf32>, vector<8x1024xf32>, vector<8x1024xf32>, vector<8x1024xf32>, vector<8x1024xf32>, vector<8x1024xf32>, vector<8x1024xf32>, vector<8x1024xf32>, vector<8x1024xf32>, vector<8x1024xf32>, vector<8x1024xf32>, vector<8x1024xf32>, vector<8x1024xf32>, vector<8x1024xf32>, vector<8x1024xf32>, vector<8x1024xf32>, vector<8x1024xf32>, vector<8x1024xf32>, vector<8x1024xf32>, vector<8x1024xf32>, vector<8x1024xf32>, vector<8x1024xf32>, vector<8x1024xf32>, vector<8x1024xf32>, vector<8x1024xf32>, vector<8x1024xf32>, vector<8x1024xf32>, vector<8x1024xf32> -> vector<256x1024xf32>
    %dot_general3A = arith.constant dense<0.000000e+00> : vector<1024x64xf32>
    %dot_general3A_101 = tpu.matmul %concatenate3A, %get3A_66, %dot_general3A {dimension_numbers = #tpu.dot_dimension_numbers<[0], [0], [1], [1], [0, 1, 1, 1], [], []>, transpose_lhs_hint = false} : vector<256x1024xf32>, vector<256x64xf32>, vector<1024x64xf32> -> vector<1024x64xf32>
    %get3A_102 = arith.constant 0 : index
    %get3A_103 = arith.constant 0 : index
    %get3A_104 = vector.load %arg1[%get3A_102, %get3A_103] : memref<8192x64xf32, #tpu.memory_space<vmem>>, vector<1024x64xf32>
    %add3A_105 = arith.addf %get3A_104, %dot_general3A_101 : vector<1024x64xf32>
    %add3A_106 = vector.broadcast %get3A_69 : vector<1x64xf32> to vector<1024x64xf32>
    %add3A_107 = arith.addf %add3A_105, %add3A_106 : vector<1024x64xf32>
    %mul3A_108 = arith.constant 5.000000e-01 : f32
    %mul3A_109 = vector.broadcast %mul3A_108 : f32 to vector<1024x64xf32>
    %mul3A_110 = arith.mulf %add3A_107, %mul3A_109 : vector<1024x64xf32>
    %swap3A = arith.constant 0 : index
    %swap3A_111 = arith.constant 0 : index
    %swap3A_112 = vector.load %arg6[%swap3A, %swap3A_111] : memref<8192x64xf32, #tpu.memory_space<vmem>>, vector<1024x64xf32>
    tpu.vector_store %arg6[%swap3A, %swap3A_111], %mul3A_110 {strides = array<i32>} : memref<8192x64xf32, #tpu.memory_space<vmem>>, vector<1024x64xf32>,
    %slice3A_113 = vector.extract_strided_slice %sin3A {offsets = [8, 0], sizes = [8, 1024], strides = [1, 1]} : vector<64x1024xf32> to vector<8x1024xf32>
    %slice3A_114 = vector.extract_strided_slice %mul3A_4 {offsets = [8, 0], sizes = [8, 1024], strides = [1, 1]} : vector<64x1024xf32> to vector<8x1024xf32>
    %slice3A_115 = vector.extract_strided_slice %sub3A_9 {offsets = [8, 0], sizes = [8, 1024], strides = [1, 1]} : vector<64x1024xf32> to vector<8x1024xf32>
    %slice3A_116 = vector.extract_strided_slice %sub3A_13 {offsets = [8, 0], sizes = [8, 1024], strides = [1, 1]} : vector<64x1024xf32> to vector<8x1024xf32>
    %slice3A_117 = vector.extract_strided_slice %sub3A_17 {offsets = [8, 0], sizes = [8, 1024], strides = [1, 1]} : vector<64x1024xf32> to vector<8x1024xf32>
    %slice3A_118 = vector.extract_strided_slice %sub3A_21 {offsets = [8, 0], sizes = [8, 1024], strides = [1, 1]} : vector<64x1024xf32> to vector<8x1024xf32>
    %slice3A_119 = vector.extract_strided_slice %sub3A_25 {offsets = [8, 0], sizes = [8, 1024], strides = [1, 1]} : vector<64x1024xf32> to vector<8x1024xf32>
    %slice3A_120 = vector.extract_strided_slice %sub3A_29 {offsets = [8, 0], sizes = [8, 1024], strides = [1, 1]} : vector<64x1024xf32> to vector<8x1024xf32>
    %slice3A_121 = vector.extract_strided_slice %sub3A_33 {offsets = [8, 0], sizes = [8, 1024], strides = [1, 1]} : vector<64x1024xf32> to vector<8x1024xf32>
    %slice3A_122 = vector.extract_strided_slice %sub3A_37 {offsets = [8, 0], sizes = [8, 1024], strides = [1, 1]} : vector<64x1024xf32> to vector<8x1024xf32>
    %slice3A_123 = vector.extract_strided_slice %sub3A_41 {offsets = [8, 0], sizes = [8, 1024], strides = [1, 1]} : vector<64x1024xf32> to vector<8x1024xf32>
    %slice3A_124 = vector.extract_strided_slice %sub3A_45 {offsets = [8, 0], sizes = [8, 1024], strides = [1, 1]} : vector<64x1024xf32> to vector<8x1024xf32>
    %slice3A_125 = vector.extract_strided_slice %sub3A_49 {offsets = [8, 0], sizes = [8, 1024], strides = [1, 1]} : vector<64x1024xf32> to vector<8x1024xf32>
    %slice3A_126 = vector.extract_strided_slice %sub3A_53 {offsets = [8, 0], sizes = [8, 1024], strides = [1, 1]} : vector<64x1024xf32> to vector<8x1024xf32>
    %slice3A_127 = vector.extract_strided_slice %sub3A_57 {offsets = [8, 0], sizes = [8, 1024], strides = [1, 1]} : vector<64x1024xf32> to vector<8x1024xf32>
    %slice3A_128 = vector.extract_strided_slice %sub3A_61 {offsets = [8, 0], sizes = [8, 1024], strides = [1, 1]} : vector<64x1024xf32> to vector<8x1024xf32>
    %slice3A_129 = vector.extract_strided_slice %cos3A {offsets = [8, 0], sizes = [8, 1024], strides = [1, 1]} : vector<64x1024xf32> to vector<8x1024xf32>
    %slice3A_130 = vector.extract_strided_slice %sub3A_7 {offsets = [8, 0], sizes = [8, 1024], strides = [1, 1]} : vector<64x1024xf32> to vector<8x1024xf32>
    %slice3A_131 = vector.extract_strided_slice %sub3A_11 {offsets = [8, 0], sizes = [8, 1024], strides = [1, 1]} : vector<64x1024xf32> to vector<8x1024xf32>
    %slice3A_132 = vector.extract_strided_slice %sub3A_15 {offsets = [8, 0], sizes = [8, 1024], strides = [1, 1]} : vector<64x1024xf32> to vector<8x1024xf32>
    %slice3A_133 = vector.extract_strided_slice %sub3A_19 {offsets = [8, 0], sizes = [8, 1024], strides = [1, 1]} : vector<64x1024xf32> to vector<8x1024xf32>
    %slice3A_134 = vector.extract_strided_slice %sub3A_23 {offsets = [8, 0], sizes = [8, 1024], strides = [1, 1]} : vector<64x1024xf32> to vector<8x1024xf32>
    %slice3A_135 = vector.extract_strided_slice %sub3A_27 {offsets = [8, 0], sizes = [8, 1024], strides = [1, 1]} : vector<64x1024xf32> to vector<8x1024xf32>
    %slice3A_136 = vector.extract_strided_slice %sub3A_31 {offsets = [8, 0], sizes = [8, 1024], strides = [1, 1]} : vector<64x1024xf32> to vector<8x1024xf32>
    %slice3A_137 = vector.extract_strided_slice %sub3A_35 {offsets = [8, 0], sizes = [8, 1024], strides = [1, 1]} : vector<64x1024xf32> to vector<8x1024xf32>
    %slice3A_138 = vector.extract_strided_slice %sub3A_39 {offsets = [8, 0], sizes = [8, 1024], strides = [1, 1]} : vector<64x1024xf32> to vector<8x1024xf32>
    %slice3A_139 = vector.extract_strided_slice %sub3A_43 {offsets = [8, 0], sizes = [8, 1024], strides = [1, 1]} : vector<64x1024xf32> to vector<8x1024xf32>
    %slice3A_140 = vector.extract_strided_slice %sub3A_47 {offsets = [8, 0], sizes = [8, 1024], strides = [1, 1]} : vector<64x1024xf32> to vector<8x1024xf32>
    %slice3A_141 = vector.extract_strided_slice %sub3A_51 {offsets = [8, 0], sizes = [8, 1024], strides = [1, 1]} : vector<64x1024xf32> to vector<8x1024xf32>
    %slice3A_142 = vector.extract_strided_slice %sub3A_55 {offsets = [8, 0], sizes = [8, 1024], strides = [1, 1]} : vector<64x1024xf32> to vector<8x1024xf32>
    %slice3A_143 = vector.extract_strided_slice %sub3A_59 {offsets = [8, 0], sizes = [8, 1024], strides = [1, 1]} : vector<64x1024xf32> to vector<8x1024xf32>
    %slice3A_144 = vector.extract_strided_slice %sub3A_63 {offsets = [8, 0], sizes = [8, 1024], strides = [1, 1]} : vector<64x1024xf32> to vector<8x1024xf32>
    %concatenate3A_145 = tpu.concatenate %slice3A_113, %slice3A_114, %slice3A_115, %slice3A_116, %slice3A_117, %slice3A_118, %slice3A_119, %slice3A_120, %slice3A_121, %slice3A_122, %slice3A_123, %slice3A_124, %slice3A_125, %slice3A_126, %slice3A_127, %slice3A_128, %slice3A_129, %slice3A_130, %slice3A_131, %slice3A_132, %slice3A_133, %slice3A_134, %slice3A_135, %slice3A_136, %slice3A_137, %slice3A_138, %slice3A_139, %slice3A_140, %slice3A_141, %slice3A_142, %slice3A_143, %slice3A_144 in 0 : vector<8x1024xf32>, vector<8x1024xf32>, vector<8x1024xf32>, vector<8x1024xf32>, vector<8x1024xf32>, vector<8x1024xf32>, vector<8x1024xf32>, vector<8x1024xf32>, vector<8x1024xf32>, vector<8x1024xf32>, vector<8x1024xf32>, vector<8x1024xf32>, vector<8x1024xf32>, vector<8x1024xf32>, vector<8x1024xf32>, vector<8x1024xf32>, vector<8x1024xf32>, vector<8x1024xf32>, vector<8x1024xf32>, vector<8x1024xf32>, vector<8x1024xf32>, vector<8x1024xf32>, vector<8x1024xf32>, vector<8x1024xf32>, vector<8x1024xf32>, vector<8x1024xf32>, vector<8x1024xf32>, vector<8x1024xf32>, vector<8x1024xf32>, vector<8x1024xf32>, vector<8x1024xf32>, vector<8x1024xf32> -> vector<256x1024xf32>
    %dot_general3A_146 = arith.constant dense<0.000000e+00> : vector<1024x64xf32>
    %dot_general3A_147 = tpu.matmul %concatenate3A_145, %get3A_66, %dot_general3A_146 {dimension_numbers = #tpu.dot_dimension_numbers<[0], [0], [1], [1], [0, 1, 1, 1], [], []>, transpose_lhs_hint = false} : vector<256x1024xf32>, vector<256x64xf32>, vector<1024x64xf32> -> vector<1024x64xf32>
    %get3A_148 = arith.constant 1024 : index
    %get3A_149 = arith.constant 0 : index
    %get3A_150 = vector.load %arg1[%get3A_148, %get3A_149] : memref<8192x64xf32, #tpu.memory_space<vmem>>, vector<1024x64xf32>
    %add3A_151 = arith.addf %get3A_150, %dot_general3A_147 : vector<1024x64xf32>
    %add3A_152 = vector.broadcast %get3A_69 : vector<1x64xf32> to vector<1024x64xf32>
    %add3A_153 = arith.addf %add3A_151, %add3A_152 : vector<1024x64xf32>
    %mul3A_154 = arith.constant 5.000000e-01 : f32
    %mul3A_155 = vector.broadcast %mul3A_154 : f32 to vector<1024x64xf32>
    %mul3A_156 = arith.mulf %add3A_153, %mul3A_155 : vector<1024x64xf32>
    %swap3A_157 = arith.constant 1024 : index
    %swap3A_158 = arith.constant 0 : index
    %swap3A_159 = vector.load %arg6[%swap3A_157, %swap3A_158] : memref<8192x64xf32, #tpu.memory_space<vmem>>, vector<1024x64xf32>
    tpu.vector_store %arg6[%swap3A_157, %swap3A_158], %mul3A_156 {strides = array<i32>} : memref<8192x64xf32, #tpu.memory_space<vmem>>, vector<1024x64xf32>,
    %slice3A_160 = vector.extract_strided_slice %sin3A {offsets = [16, 0], sizes = [8, 1024], strides = [1, 1]} : vector<64x1024xf32> to vector<8x1024xf32>
    %slice3A_161 = vector.extract_strided_slice %mul3A_4 {offsets = [16, 0], sizes = [8, 1024], strides = [1, 1]} : vector<64x1024xf32> to vector<8x1024xf32>
    %slice3A_162 = vector.extract_strided_slice %sub3A_9 {offsets = [16, 0], sizes = [8, 1024], strides = [1, 1]} : vector<64x1024xf32> to vector<8x1024xf32>
    %slice3A_163 = vector.extract_strided_slice %sub3A_13 {offsets = [16, 0], sizes = [8, 1024], strides = [1, 1]} : vector<64x1024xf32> to vector<8x1024xf32>
    %slice3A_164 = vector.extract_strided_slice %sub3A_17 {offsets = [16, 0], sizes = [8, 1024], strides = [1, 1]} : vector<64x1024xf32> to vector<8x1024xf32>
    %slice3A_165 = vector.extract_strided_slice %sub3A_21 {offsets = [16, 0], sizes = [8, 1024], strides = [1, 1]} : vector<64x1024xf32> to vector<8x1024xf32>
    %slice3A_166 = vector.extract_strided_slice %sub3A_25 {offsets = [16, 0], sizes = [8, 1024], strides = [1, 1]} : vector<64x1024xf32> to vector<8x1024xf32>
    %slice3A_167 = vector.extract_strided_slice %sub3A_29 {offsets = [16, 0], sizes = [8, 1024], strides = [1, 1]} : vector<64x1024xf32> to vector<8x1024xf32>
    %slice3A_168 = vector.extract_strided_slice %sub3A_33 {offsets = [16, 0], sizes = [8, 1024], strides = [1, 1]} : vector<64x1024xf32> to vector<8x1024xf32>
    %slice3A_169 = vector.extract_strided_slice %sub3A_37 {offsets = [16, 0], sizes = [8, 1024], strides = [1, 1]} : vector<64x1024xf32> to vector<8x1024xf32>
    %slice3A_170 = vector.extract_strided_slice %sub3A_41 {offsets = [16, 0], sizes = [8, 1024], strides = [1, 1]} : vector<64x1024xf32> to vector<8x1024xf32>
    %slice3A_171 = vector.extract_strided_slice %sub3A_45 {offsets = [16, 0], sizes = [8, 1024], strides = [1, 1]} : vector<64x1024xf32> to vector<8x1024xf32>
    %slice3A_172 = vector.extract_strided_slice %sub3A_49 {offsets = [16, 0], sizes = [8, 1024], strides = [1, 1]} : vector<64x1024xf32> to vector<8x1024xf32>
    %slice3A_173 = vector.extract_strided_slice %sub3A_53 {offsets = [16, 0], sizes = [8, 1024], strides = [1, 1]} : vector<64x1024xf32> to vector<8x1024xf32>
    %slice3A_174 = vector.extract_strided_slice %sub3A_57 {offsets = [16, 0], sizes = [8, 1024], strides = [1, 1]} : vector<64x1024xf32> to vector<8x1024xf32>
    %slice3A_175 = vector.extract_strided_slice %sub3A_61 {offsets = [16, 0], sizes = [8, 1024], strides = [1, 1]} : vector<64x1024xf32> to vector<8x1024xf32>
    %slice3A_176 = vector.extract_strided_slice %cos3A {offsets = [16, 0], sizes = [8, 1024], strides = [1, 1]} : vector<64x1024xf32> to vector<8x1024xf32>
    %slice3A_177 = vector.extract_strided_slice %sub3A_7 {offsets = [16, 0], sizes = [8, 1024], strides = [1, 1]} : vector<64x1024xf32> to vector<8x1024xf32>
    %slice3A_178 = vector.extract_strided_slice %sub3A_11 {offsets = [16, 0], sizes = [8, 1024], strides = [1, 1]} : vector<64x1024xf32> to vector<8x1024xf32>
    %slice3A_179 = vector.extract_strided_slice %sub3A_15 {offsets = [16, 0], sizes = [8, 1024], strides = [1, 1]} : vector<64x1024xf32> to vector<8x1024xf32>
    %slice3A_180 = vector.extract_strided_slice %sub3A_19 {offsets = [16, 0], sizes = [8, 1024], strides = [1, 1]} : vector<64x1024xf32> to vector<8x1024xf32>
    %slice3A_181 = vector.extract_strided_slice %sub3A_23 {offsets = [16, 0], sizes = [8, 1024], strides = [1, 1]} : vector<64x1024xf32> to vector<8x1024xf32>
    %slice3A_182 = vector.extract_strided_slice %sub3A_27 {offsets = [16, 0], sizes = [8, 1024], strides = [1, 1]} : vector<64x1024xf32> to vector<8x1024xf32>
    %slice3A_183 = vector.extract_strided_slice %sub3A_31 {offsets = [16, 0], sizes = [8, 1024], strides = [1, 1]} : vector<64x1024xf32> to vector<8x1024xf32>
    %slice3A_184 = vector.extract_strided_slice %sub3A_35 {offsets = [16, 0], sizes = [8, 1024], strides = [1, 1]} : vector<64x1024xf32> to vector<8x1024xf32>
    %slice3A_185 = vector.extract_strided_slice %sub3A_39 {offsets = [16, 0], sizes = [8, 1024], strides = [1, 1]} : vector<64x1024xf32> to vector<8x1024xf32>
    %slice3A_186 = vector.extract_strided_slice %sub3A_43 {offsets = [16, 0], sizes = [8, 1024], strides = [1, 1]} : vector<64x1024xf32> to vector<8x1024xf32>
    %slice3A_187 = vector.extract_strided_slice %sub3A_47 {offsets = [16, 0], sizes = [8, 1024], strides = [1, 1]} : vector<64x1024xf32> to vector<8x1024xf32>
    %slice3A_188 = vector.extract_strided_slice %sub3A_51 {offsets = [16, 0], sizes = [8, 1024], strides = [1, 1]} : vector<64x1024xf32> to vector<8x1024xf32>
    %slice3A_189 = vector.extract_strided_slice %sub3A_55 {offsets = [16, 0], sizes = [8, 1024], strides = [1, 1]} : vector<64x1024xf32> to vector<8x1024xf32>
    %slice3A_190 = vector.extract_strided_slice %sub3A_59 {offsets = [16, 0], sizes = [8, 1024], strides = [1, 1]} : vector<64x1024xf32> to vector<8x1024xf32>
    %slice3A_191 = vector.extract_strided_slice %sub3A_63 {offsets = [16, 0], sizes = [8, 1024], strides = [1, 1]} : vector<64x1024xf32> to vector<8x1024xf32>
    %concatenate3A_192 = tpu.concatenate %slice3A_160, %slice3A_161, %slice3A_162, %slice3A_163, %slice3A_164, %slice3A_165, %slice3A_166, %slice3A_167, %slice3A_168, %slice3A_169, %slice3A_170, %slice3A_171, %slice3A_172, %slice3A_173, %slice3A_174, %slice3A_175, %slice3A_176, %slice3A_177, %slice3A_178, %slice3A_179, %slice3A_180, %slice3A_181, %slice3A_182, %slice3A_183, %slice3A_184, %slice3A_185, %slice3A_186, %slice3A_187, %slice3A_188, %slice3A_189, %slice3A_190, %slice3A_191 in 0 : vector<8x1024xf32>, vector<8x1024xf32>, vector<8x1024xf32>, vector<8x1024xf32>, vector<8x1024xf32>, vector<8x1024xf32>, vector<8x1024xf32>, vector<8x1024xf32>, vector<8x1024xf32>, vector<8x1024xf32>, vector<8x1024xf32>, vector<8x1024xf32>, vector<8x1024xf32>, vector<8x1024xf32>, vector<8x1024xf32>, vector<8x1024xf32>, vector<8x1024xf32>, vector<8x1024xf32>, vector<8x1024xf32>, vector<8x1024xf32>, vector<8x1024xf32>, vector<8x1024xf32>, vector<8x1024xf32>, vector<8x1024xf32>, vector<8x1024xf32>, vector<8x1024xf32>, vector<8x1024xf32>, vector<8x1024xf32>, vector<8x1024xf32>, vector<8x1024xf32>, vector<8x1024xf32>, vector<8x1024xf32> -> vector<256x1024xf32>
    %dot_general3A_193 = arith.constant dense<0.000000e+00> : vector<1024x64xf32>
    %dot_general3A_194 = tpu.matmul %concatenate3A_192, %get3A_66, %dot_general3A_193 {dimension_numbers = #tpu.dot_dimension_numbers<[0], [0], [1], [1], [0, 1, 1, 1], [], []>, transpose_lhs_hint = false} : vector<256x1024xf32>, vector<256x64xf32>, vector<1024x64xf32> -> vector<1024x64xf32>
    %get3A_195 = arith.constant 2048 : index
    %get3A_196 = arith.constant 0 : index
    %get3A_197 = vector.load %arg1[%get3A_195, %get3A_196] : memref<8192x64xf32, #tpu.memory_space<vmem>>, vector<1024x64xf32>
    %add3A_198 = arith.addf %get3A_197, %dot_general3A_194 : vector<1024x64xf32>
    %add3A_199 = vector.broadcast %get3A_69 : vector<1x64xf32> to vector<1024x64xf32>
    %add3A_200 = arith.addf %add3A_198, %add3A_199 : vector<1024x64xf32>
    %mul3A_201 = arith.constant 5.000000e-01 : f32
    %mul3A_202 = vector.broadcast %mul3A_201 : f32 to vector<1024x64xf32>
    %mul3A_203 = arith.mulf %add3A_200, %mul3A_202 : vector<1024x64xf32>
    %swap3A_204 = arith.constant 2048 : index
    %swap3A_205 = arith.constant 0 : index
    %swap3A_206 = vector.load %arg6[%swap3A_204, %swap3A_205] : memref<8192x64xf32, #tpu.memory_space<vmem>>, vector<1024x64xf32>
    tpu.vector_store %arg6[%swap3A_204, %swap3A_205], %mul3A_203 {strides = array<i32>} : memref<8192x64xf32, #tpu.memory_space<vmem>>, vector<1024x64xf32>,
    %slice3A_207 = vector.extract_strided_slice %sin3A {offsets = [24, 0], sizes = [8, 1024], strides = [1, 1]} : vector<64x1024xf32> to vector<8x1024xf32>
    %slice3A_208 = vector.extract_strided_slice %mul3A_4 {offsets = [24, 0], sizes = [8, 1024], strides = [1, 1]} : vector<64x1024xf32> to vector<8x1024xf32>
    %slice3A_209 = vector.extract_strided_slice %sub3A_9 {offsets = [24, 0], sizes = [8, 1024], strides = [1, 1]} : vector<64x1024xf32> to vector<8x1024xf32>
    %slice3A_210 = vector.extract_strided_slice %sub3A_13 {offsets = [24, 0], sizes = [8, 1024], strides = [1, 1]} : vector<64x1024xf32> to vector<8x1024xf32>
    %slice3A_211 = vector.extract_strided_slice %sub3A_17 {offsets = [24, 0], sizes = [8, 1024], strides = [1, 1]} : vector<64x1024xf32> to vector<8x1024xf32>
    %slice3A_212 = vector.extract_strided_slice %sub3A_21 {offsets = [24, 0], sizes = [8, 1024], strides = [1, 1]} : vector<64x1024xf32> to vector<8x1024xf32>
    %slice3A_213 = vector.extract_strided_slice %sub3A_25 {offsets = [24, 0], sizes = [8, 1024], strides = [1, 1]} : vector<64x1024xf32> to vector<8x1024xf32>
    %slice3A_214 = vector.extract_strided_slice %sub3A_29 {offsets = [24, 0], sizes = [8, 1024], strides = [1, 1]} : vector<64x1024xf32> to vector<8x1024xf32>
    %slice3A_215 = vector.extract_strided_slice %sub3A_33 {offsets = [24, 0], sizes = [8, 1024], strides = [1, 1]} : vector<64x1024xf32> to vector<8x1024xf32>
    %slice3A_216 = vector.extract_strided_slice %sub3A_37 {offsets = [24, 0], sizes = [8, 1024], strides = [1, 1]} : vector<64x1024xf32> to vector<8x1024xf32>
    %slice3A_217 = vector.extract_strided_slice %sub3A_41 {offsets = [24, 0], sizes = [8, 1024], strides = [1, 1]} : vector<64x1024xf32> to vector<8x1024xf32>
    %slice3A_218 = vector.extract_strided_slice %sub3A_45 {offsets = [24, 0], sizes = [8, 1024], strides = [1, 1]} : vector<64x1024xf32> to vector<8x1024xf32>
    %slice3A_219 = vector.extract_strided_slice %sub3A_49 {offsets = [24, 0], sizes = [8, 1024], strides = [1, 1]} : vector<64x1024xf32> to vector<8x1024xf32>
    %slice3A_220 = vector.extract_strided_slice %sub3A_53 {offsets = [24, 0], sizes = [8, 1024], strides = [1, 1]} : vector<64x1024xf32> to vector<8x1024xf32>
    %slice3A_221 = vector.extract_strided_slice %sub3A_57 {offsets = [24, 0], sizes = [8, 1024], strides = [1, 1]} : vector<64x1024xf32> to vector<8x1024xf32>
    %slice3A_222 = vector.extract_strided_slice %sub3A_61 {offsets = [24, 0], sizes = [8, 1024], strides = [1, 1]} : vector<64x1024xf32> to vector<8x1024xf32>
    %slice3A_223 = vector.extract_strided_slice %cos3A {offsets = [24, 0], sizes = [8, 1024], strides = [1, 1]} : vector<64x1024xf32> to vector<8x1024xf32>
    %slice3A_224 = vector.extract_strided_slice %sub3A_7 {offsets = [24, 0], sizes = [8, 1024], strides = [1, 1]} : vector<64x1024xf32> to vector<8x1024xf32>
    %slice3A_225 = vector.extract_strided_slice %sub3A_11 {offsets = [24, 0], sizes = [8, 1024], strides = [1, 1]} : vector<64x1024xf32> to vector<8x1024xf32>
    %slice3A_226 = vector.extract_strided_slice %sub3A_15 {offsets = [24, 0], sizes = [8, 1024], strides = [1, 1]} : vector<64x1024xf32> to vector<8x1024xf32>
    %slice3A_227 = vector.extract_strided_slice %sub3A_19 {offsets = [24, 0], sizes = [8, 1024], strides = [1, 1]} : vector<64x1024xf32> to vector<8x1024xf32>
    %slice3A_228 = vector.extract_strided_slice %sub3A_23 {offsets = [24, 0], sizes = [8, 1024], strides = [1, 1]} : vector<64x1024xf32> to vector<8x1024xf32>
    %slice3A_229 = vector.extract_strided_slice %sub3A_27 {offsets = [24, 0], sizes = [8, 1024], strides = [1, 1]} : vector<64x1024xf32> to vector<8x1024xf32>
    %slice3A_230 = vector.extract_strided_slice %sub3A_31 {offsets = [24, 0], sizes = [8, 1024], strides = [1, 1]} : vector<64x1024xf32> to vector<8x1024xf32>
    %slice3A_231 = vector.extract_strided_slice %sub3A_35 {offsets = [24, 0], sizes = [8, 1024], strides = [1, 1]} : vector<64x1024xf32> to vector<8x1024xf32>
    %slice3A_232 = vector.extract_strided_slice %sub3A_39 {offsets = [24, 0], sizes = [8, 1024], strides = [1, 1]} : vector<64x1024xf32> to vector<8x1024xf32>
    %slice3A_233 = vector.extract_strided_slice %sub3A_43 {offsets = [24, 0], sizes = [8, 1024], strides = [1, 1]} : vector<64x1024xf32> to vector<8x1024xf32>
    %slice3A_234 = vector.extract_strided_slice %sub3A_47 {offsets = [24, 0], sizes = [8, 1024], strides = [1, 1]} : vector<64x1024xf32> to vector<8x1024xf32>
    %slice3A_235 = vector.extract_strided_slice %sub3A_51 {offsets = [24, 0], sizes = [8, 1024], strides = [1, 1]} : vector<64x1024xf32> to vector<8x1024xf32>
    %slice3A_236 = vector.extract_strided_slice %sub3A_55 {offsets = [24, 0], sizes = [8, 1024], strides = [1, 1]} : vector<64x1024xf32> to vector<8x1024xf32>
    %slice3A_237 = vector.extract_strided_slice %sub3A_59 {offsets = [24, 0], sizes = [8, 1024], strides = [1, 1]} : vector<64x1024xf32> to vector<8x1024xf32>
    %slice3A_238 = vector.extract_strided_slice %sub3A_63 {offsets = [24, 0], sizes = [8, 1024], strides = [1, 1]} : vector<64x1024xf32> to vector<8x1024xf32>
    %concatenate3A_239 = tpu.concatenate %slice3A_207, %slice3A_208, %slice3A_209, %slice3A_210, %slice3A_211, %slice3A_212, %slice3A_213, %slice3A_214, %slice3A_215, %slice3A_216, %slice3A_217, %slice3A_218, %slice3A_219, %slice3A_220, %slice3A_221, %slice3A_222, %slice3A_223, %slice3A_224, %slice3A_225, %slice3A_226, %slice3A_227, %slice3A_228, %slice3A_229, %slice3A_230, %slice3A_231, %slice3A_232, %slice3A_233, %slice3A_234, %slice3A_235, %slice3A_236, %slice3A_237, %slice3A_238 in 0 : vector<8x1024xf32>, vector<8x1024xf32>, vector<8x1024xf32>, vector<8x1024xf32>, vector<8x1024xf32>, vector<8x1024xf32>, vector<8x1024xf32>, vector<8x1024xf32>, vector<8x1024xf32>, vector<8x1024xf32>, vector<8x1024xf32>, vector<8x1024xf32>, vector<8x1024xf32>, vector<8x1024xf32>, vector<8x1024xf32>, vector<8x1024xf32>, vector<8x1024xf32>, vector<8x1024xf32>, vector<8x1024xf32>, vector<8x1024xf32>, vector<8x1024xf32>, vector<8x1024xf32>, vector<8x1024xf32>, vector<8x1024xf32>, vector<8x1024xf32>, vector<8x1024xf32>, vector<8x1024xf32>, vector<8x1024xf32>, vector<8x1024xf32>, vector<8x1024xf32>, vector<8x1024xf32>, vector<8x1024xf32> -> vector<256x1024xf32>
    %dot_general3A_240 = arith.constant dense<0.000000e+00> : vector<1024x64xf32>
    %dot_general3A_241 = tpu.matmul %concatenate3A_239, %get3A_66, %dot_general3A_240 {dimension_numbers = #tpu.dot_dimension_numbers<[0], [0], [1], [1], [0, 1, 1, 1], [], []>, transpose_lhs_hint = false} : vector<256x1024xf32>, vector<256x64xf32>, vector<1024x64xf32> -> vector<1024x64xf32>
    %get3A_242 = arith.constant 3072 : index
    %get3A_243 = arith.constant 0 : index
    %get3A_244 = vector.load %arg1[%get3A_242, %get3A_243] : memref<8192x64xf32, #tpu.memory_space<vmem>>, vector<1024x64xf32>
    %add3A_245 = arith.addf %get3A_244, %dot_general3A_241 : vector<1024x64xf32>
    %add3A_246 = vector.broadcast %get3A_69 : vector<1x64xf32> to vector<1024x64xf32>
    %add3A_247 = arith.addf %add3A_245, %add3A_246 : vector<1024x64xf32>
    %mul3A_248 = arith.constant 5.000000e-01 : f32
    %mul3A_249 = vector.broadcast %mul3A_248 : f32 to vector<1024x64xf32>
    %mul3A_250 = arith.mulf %add3A_247, %mul3A_249 : vector<1024x64xf32>
    %swap3A_251 = arith.constant 3072 : index
    %swap3A_252 = arith.constant 0 : index
    %swap3A_253 = vector.load %arg6[%swap3A_251, %swap3A_252] : memref<8192x64xf32, #tpu.memory_space<vmem>>, vector<1024x64xf32>
    tpu.vector_store %arg6[%swap3A_251, %swap3A_252], %mul3A_250 {strides = array<i32>} : memref<8192x64xf32, #tpu.memory_space<vmem>>, vector<1024x64xf32>,
    %slice3A_254 = vector.extract_strided_slice %sin3A {offsets = [32, 0], sizes = [8, 1024], strides = [1, 1]} : vector<64x1024xf32> to vector<8x1024xf32>
    %slice3A_255 = vector.extract_strided_slice %mul3A_4 {offsets = [32, 0], sizes = [8, 1024], strides = [1, 1]} : vector<64x1024xf32> to vector<8x1024xf32>
    %slice3A_256 = vector.extract_strided_slice %sub3A_9 {offsets = [32, 0], sizes = [8, 1024], strides = [1, 1]} : vector<64x1024xf32> to vector<8x1024xf32>
    %slice3A_257 = vector.extract_strided_slice %sub3A_13 {offsets = [32, 0], sizes = [8, 1024], strides = [1, 1]} : vector<64x1024xf32> to vector<8x1024xf32>
    %slice3A_258 = vector.extract_strided_slice %sub3A_17 {offsets = [32, 0], sizes = [8, 1024], strides = [1, 1]} : vector<64x1024xf32> to vector<8x1024xf32>
    %slice3A_259 = vector.extract_strided_slice %sub3A_21 {offsets = [32, 0], sizes = [8, 1024], strides = [1, 1]} : vector<64x1024xf32> to vector<8x1024xf32>
    %slice3A_260 = vector.extract_strided_slice %sub3A_25 {offsets = [32, 0], sizes = [8, 1024], strides = [1, 1]} : vector<64x1024xf32> to vector<8x1024xf32>
    %slice3A_261 = vector.extract_strided_slice %sub3A_29 {offsets = [32, 0], sizes = [8, 1024], strides = [1, 1]} : vector<64x1024xf32> to vector<8x1024xf32>
    %slice3A_262 = vector.extract_strided_slice %sub3A_33 {offsets = [32, 0], sizes = [8, 1024], strides = [1, 1]} : vector<64x1024xf32> to vector<8x1024xf32>
    %slice3A_263 = vector.extract_strided_slice %sub3A_37 {offsets = [32, 0], sizes = [8, 1024], strides = [1, 1]} : vector<64x1024xf32> to vector<8x1024xf32>
    %slice3A_264 = vector.extract_strided_slice %sub3A_41 {offsets = [32, 0], sizes = [8, 1024], strides = [1, 1]} : vector<64x1024xf32> to vector<8x1024xf32>
    %slice3A_265 = vector.extract_strided_slice %sub3A_45 {offsets = [32, 0], sizes = [8, 1024], strides = [1, 1]} : vector<64x1024xf32> to vector<8x1024xf32>
    %slice3A_266 = vector.extract_strided_slice %sub3A_49 {offsets = [32, 0], sizes = [8, 1024], strides = [1, 1]} : vector<64x1024xf32> to vector<8x1024xf32>
    %slice3A_267 = vector.extract_strided_slice %sub3A_53 {offsets = [32, 0], sizes = [8, 1024], strides = [1, 1]} : vector<64x1024xf32> to vector<8x1024xf32>
    %slice3A_268 = vector.extract_strided_slice %sub3A_57 {offsets = [32, 0], sizes = [8, 1024], strides = [1, 1]} : vector<64x1024xf32> to vector<8x1024xf32>
    %slice3A_269 = vector.extract_strided_slice %sub3A_61 {offsets = [32, 0], sizes = [8, 1024], strides = [1, 1]} : vector<64x1024xf32> to vector<8x1024xf32>
    %slice3A_270 = vector.extract_strided_slice %cos3A {offsets = [32, 0], sizes = [8, 1024], strides = [1, 1]} : vector<64x1024xf32> to vector<8x1024xf32>
    %slice3A_271 = vector.extract_strided_slice %sub3A_7 {offsets = [32, 0], sizes = [8, 1024], strides = [1, 1]} : vector<64x1024xf32> to vector<8x1024xf32>
    %slice3A_272 = vector.extract_strided_slice %sub3A_11 {offsets = [32, 0], sizes = [8, 1024], strides = [1, 1]} : vector<64x1024xf32> to vector<8x1024xf32>
    %slice3A_273 = vector.extract_strided_slice %sub3A_15 {offsets = [32, 0], sizes = [8, 1024], strides = [1, 1]} : vector<64x1024xf32> to vector<8x1024xf32>
    %slice3A_274 = vector.extract_strided_slice %sub3A_19 {offsets = [32, 0], sizes = [8, 1024], strides = [1, 1]} : vector<64x1024xf32> to vector<8x1024xf32>
    %slice3A_275 = vector.extract_strided_slice %sub3A_23 {offsets = [32, 0], sizes = [8, 1024], strides = [1, 1]} : vector<64x1024xf32> to vector<8x1024xf32>
    %slice3A_276 = vector.extract_strided_slice %sub3A_27 {offsets = [32, 0], sizes = [8, 1024], strides = [1, 1]} : vector<64x1024xf32> to vector<8x1024xf32>
    %slice3A_277 = vector.extract_strided_slice %sub3A_31 {offsets = [32, 0], sizes = [8, 1024], strides = [1, 1]} : vector<64x1024xf32> to vector<8x1024xf32>
    %slice3A_278 = vector.extract_strided_slice %sub3A_35 {offsets = [32, 0], sizes = [8, 1024], strides = [1, 1]} : vector<64x1024xf32> to vector<8x1024xf32>
    %slice3A_279 = vector.extract_strided_slice %sub3A_39 {offsets = [32, 0], sizes = [8, 1024], strides = [1, 1]} : vector<64x1024xf32> to vector<8x1024xf32>
    %slice3A_280 = vector.extract_strided_slice %sub3A_43 {offsets = [32, 0], sizes = [8, 1024], strides = [1, 1]} : vector<64x1024xf32> to vector<8x1024xf32>
    %slice3A_281 = vector.extract_strided_slice %sub3A_47 {offsets = [32, 0], sizes = [8, 1024], strides = [1, 1]} : vector<64x1024xf32> to vector<8x1024xf32>
    %slice3A_282 = vector.extract_strided_slice %sub3A_51 {offsets = [32, 0], sizes = [8, 1024], strides = [1, 1]} : vector<64x1024xf32> to vector<8x1024xf32>
    %slice3A_283 = vector.extract_strided_slice %sub3A_55 {offsets = [32, 0], sizes = [8, 1024], strides = [1, 1]} : vector<64x1024xf32> to vector<8x1024xf32>
    %slice3A_284 = vector.extract_strided_slice %sub3A_59 {offsets = [32, 0], sizes = [8, 1024], strides = [1, 1]} : vector<64x1024xf32> to vector<8x1024xf32>
    %slice3A_285 = vector.extract_strided_slice %sub3A_63 {offsets = [32, 0], sizes = [8, 1024], strides = [1, 1]} : vector<64x1024xf32> to vector<8x1024xf32>
    %concatenate3A_286 = tpu.concatenate %slice3A_254, %slice3A_255, %slice3A_256, %slice3A_257, %slice3A_258, %slice3A_259, %slice3A_260, %slice3A_261, %slice3A_262, %slice3A_263, %slice3A_264, %slice3A_265, %slice3A_266, %slice3A_267, %slice3A_268, %slice3A_269, %slice3A_270, %slice3A_271, %slice3A_272, %slice3A_273, %slice3A_274, %slice3A_275, %slice3A_276, %slice3A_277, %slice3A_278, %slice3A_279, %slice3A_280, %slice3A_281, %slice3A_282, %slice3A_283, %slice3A_284, %slice3A_285 in 0 : vector<8x1024xf32>, vector<8x1024xf32>, vector<8x1024xf32>, vector<8x1024xf32>, vector<8x1024xf32>, vector<8x1024xf32>, vector<8x1024xf32>, vector<8x1024xf32>, vector<8x1024xf32>, vector<8x1024xf32>, vector<8x1024xf32>, vector<8x1024xf32>, vector<8x1024xf32>, vector<8x1024xf32>, vector<8x1024xf32>, vector<8x1024xf32>, vector<8x1024xf32>, vector<8x1024xf32>, vector<8x1024xf32>, vector<8x1024xf32>, vector<8x1024xf32>, vector<8x1024xf32>, vector<8x1024xf32>, vector<8x1024xf32>, vector<8x1024xf32>, vector<8x1024xf32>, vector<8x1024xf32>, vector<8x1024xf32>, vector<8x1024xf32>, vector<8x1024xf32>, vector<8x1024xf32>, vector<8x1024xf32> -> vector<256x1024xf32>
    %dot_general3A_287 = arith.constant dense<0.000000e+00> : vector<1024x64xf32>
    %dot_general3A_288 = tpu.matmul %concatenate3A_286, %get3A_66, %dot_general3A_287 {dimension_numbers = #tpu.dot_dimension_numbers<[0], [0], [1], [1], [0, 1, 1, 1], [], []>, transpose_lhs_hint = false} : vector<256x1024xf32>, vector<256x64xf32>, vector<1024x64xf32> -> vector<1024x64xf32>
    %get3A_289 = arith.constant 4096 : index
    %get3A_290 = arith.constant 0 : index
    %get3A_291 = vector.load %arg1[%get3A_289, %get3A_290] : memref<8192x64xf32, #tpu.memory_space<vmem>>, vector<1024x64xf32>
    %add3A_292 = arith.addf %get3A_291, %dot_general3A_288 : vector<1024x64xf32>
    %add3A_293 = vector.broadcast %get3A_69 : vector<1x64xf32> to vector<1024x64xf32>
    %add3A_294 = arith.addf %add3A_292, %add3A_293 : vector<1024x64xf32>
    %mul3A_295 = arith.constant 5.000000e-01 : f32
    %mul3A_296 = vector.broadcast %mul3A_295 : f32 to vector<1024x64xf32>
    %mul3A_297 = arith.mulf %add3A_294, %mul3A_296 : vector<1024x64xf32>
    %swap3A_298 = arith.constant 4096 : index
    %swap3A_299 = arith.constant 0 : index
    %swap3A_300 = vector.load %arg6[%swap3A_298, %swap3A_299] : memref<8192x64xf32, #tpu.memory_space<vmem>>, vector<1024x64xf32>
    tpu.vector_store %arg6[%swap3A_298, %swap3A_299], %mul3A_297 {strides = array<i32>} : memref<8192x64xf32, #tpu.memory_space<vmem>>, vector<1024x64xf32>,
    %slice3A_301 = vector.extract_strided_slice %sin3A {offsets = [40, 0], sizes = [8, 1024], strides = [1, 1]} : vector<64x1024xf32> to vector<8x1024xf32>
    %slice3A_302 = vector.extract_strided_slice %mul3A_4 {offsets = [40, 0], sizes = [8, 1024], strides = [1, 1]} : vector<64x1024xf32> to vector<8x1024xf32>
    %slice3A_303 = vector.extract_strided_slice %sub3A_9 {offsets = [40, 0], sizes = [8, 1024], strides = [1, 1]} : vector<64x1024xf32> to vector<8x1024xf32>
    %slice3A_304 = vector.extract_strided_slice %sub3A_13 {offsets = [40, 0], sizes = [8, 1024], strides = [1, 1]} : vector<64x1024xf32> to vector<8x1024xf32>
    %slice3A_305 = vector.extract_strided_slice %sub3A_17 {offsets = [40, 0], sizes = [8, 1024], strides = [1, 1]} : vector<64x1024xf32> to vector<8x1024xf32>
    %slice3A_306 = vector.extract_strided_slice %sub3A_21 {offsets = [40, 0], sizes = [8, 1024], strides = [1, 1]} : vector<64x1024xf32> to vector<8x1024xf32>
    %slice3A_307 = vector.extract_strided_slice %sub3A_25 {offsets = [40, 0], sizes = [8, 1024], strides = [1, 1]} : vector<64x1024xf32> to vector<8x1024xf32>
    %slice3A_308 = vector.extract_strided_slice %sub3A_29 {offsets = [40, 0], sizes = [8, 1024], strides = [1, 1]} : vector<64x1024xf32> to vector<8x1024xf32>
    %slice3A_309 = vector.extract_strided_slice %sub3A_33 {offsets = [40, 0], sizes = [8, 1024], strides = [1, 1]} : vector<64x1024xf32> to vector<8x1024xf32>
    %slice3A_310 = vector.extract_strided_slice %sub3A_37 {offsets = [40, 0], sizes = [8, 1024], strides = [1, 1]} : vector<64x1024xf32> to vector<8x1024xf32>
    %slice3A_311 = vector.extract_strided_slice %sub3A_41 {offsets = [40, 0], sizes = [8, 1024], strides = [1, 1]} : vector<64x1024xf32> to vector<8x1024xf32>
    %slice3A_312 = vector.extract_strided_slice %sub3A_45 {offsets = [40, 0], sizes = [8, 1024], strides = [1, 1]} : vector<64x1024xf32> to vector<8x1024xf32>
    %slice3A_313 = vector.extract_strided_slice %sub3A_49 {offsets = [40, 0], sizes = [8, 1024], strides = [1, 1]} : vector<64x1024xf32> to vector<8x1024xf32>
    %slice3A_314 = vector.extract_strided_slice %sub3A_53 {offsets = [40, 0], sizes = [8, 1024], strides = [1, 1]} : vector<64x1024xf32> to vector<8x1024xf32>
    %slice3A_315 = vector.extract_strided_slice %sub3A_57 {offsets = [40, 0], sizes = [8, 1024], strides = [1, 1]} : vector<64x1024xf32> to vector<8x1024xf32>
    %slice3A_316 = vector.extract_strided_slice %sub3A_61 {offsets = [40, 0], sizes = [8, 1024], strides = [1, 1]} : vector<64x1024xf32> to vector<8x1024xf32>
    %slice3A_317 = vector.extract_strided_slice %cos3A {offsets = [40, 0], sizes = [8, 1024], strides = [1, 1]} : vector<64x1024xf32> to vector<8x1024xf32>
    %slice3A_318 = vector.extract_strided_slice %sub3A_7 {offsets = [40, 0], sizes = [8, 1024], strides = [1, 1]} : vector<64x1024xf32> to vector<8x1024xf32>
    %slice3A_319 = vector.extract_strided_slice %sub3A_11 {offsets = [40, 0], sizes = [8, 1024], strides = [1, 1]} : vector<64x1024xf32> to vector<8x1024xf32>
    %slice3A_320 = vector.extract_strided_slice %sub3A_15 {offsets = [40, 0], sizes = [8, 1024], strides = [1, 1]} : vector<64x1024xf32> to vector<8x1024xf32>
    %slice3A_321 = vector.extract_strided_slice %sub3A_19 {offsets = [40, 0], sizes = [8, 1024], strides = [1, 1]} : vector<64x1024xf32> to vector<8x1024xf32>
    %slice3A_322 = vector.extract_strided_slice %sub3A_23 {offsets = [40, 0], sizes = [8, 1024], strides = [1, 1]} : vector<64x1024xf32> to vector<8x1024xf32>
    %slice3A_323 = vector.extract_strided_slice %sub3A_27 {offsets = [40, 0], sizes = [8, 1024], strides = [1, 1]} : vector<64x1024xf32> to vector<8x1024xf32>
    %slice3A_324 = vector.extract_strided_slice %sub3A_31 {offsets = [40, 0], sizes = [8, 1024], strides = [1, 1]} : vector<64x1024xf32> to vector<8x1024xf32>
    %slice3A_325 = vector.extract_strided_slice %sub3A_35 {offsets = [40, 0], sizes = [8, 1024], strides = [1, 1]} : vector<64x1024xf32> to vector<8x1024xf32>
    %slice3A_326 = vector.extract_strided_slice %sub3A_39 {offsets = [40, 0], sizes = [8, 1024], strides = [1, 1]} : vector<64x1024xf32> to vector<8x1024xf32>
    %slice3A_327 = vector.extract_strided_slice %sub3A_43 {offsets = [40, 0], sizes = [8, 1024], strides = [1, 1]} : vector<64x1024xf32> to vector<8x1024xf32>
    %slice3A_328 = vector.extract_strided_slice %sub3A_47 {offsets = [40, 0], sizes = [8, 1024], strides = [1, 1]} : vector<64x1024xf32> to vector<8x1024xf32>
    %slice3A_329 = vector.extract_strided_slice %sub3A_51 {offsets = [40, 0], sizes = [8, 1024], strides = [1, 1]} : vector<64x1024xf32> to vector<8x1024xf32>
    %slice3A_330 = vector.extract_strided_slice %sub3A_55 {offsets = [40, 0], sizes = [8, 1024], strides = [1, 1]} : vector<64x1024xf32> to vector<8x1024xf32>
    %slice3A_331 = vector.extract_strided_slice %sub3A_59 {offsets = [40, 0], sizes = [8, 1024], strides = [1, 1]} : vector<64x1024xf32> to vector<8x1024xf32>
    %slice3A_332 = vector.extract_strided_slice %sub3A_63 {offsets = [40, 0], sizes = [8, 1024], strides = [1, 1]} : vector<64x1024xf32> to vector<8x1024xf32>
    %concatenate3A_333 = tpu.concatenate %slice3A_301, %slice3A_302, %slice3A_303, %slice3A_304, %slice3A_305, %slice3A_306, %slice3A_307, %slice3A_308, %slice3A_309, %slice3A_310, %slice3A_311, %slice3A_312, %slice3A_313, %slice3A_314, %slice3A_315, %slice3A_316, %slice3A_317, %slice3A_318, %slice3A_319, %slice3A_320, %slice3A_321, %slice3A_322, %slice3A_323, %slice3A_324, %slice3A_325, %slice3A_326, %slice3A_327, %slice3A_328, %slice3A_329, %slice3A_330, %slice3A_331, %slice3A_332 in 0 : vector<8x1024xf32>, vector<8x1024xf32>, vector<8x1024xf32>, vector<8x1024xf32>, vector<8x1024xf32>, vector<8x1024xf32>, vector<8x1024xf32>, vector<8x1024xf32>, vector<8x1024xf32>, vector<8x1024xf32>, vector<8x1024xf32>, vector<8x1024xf32>, vector<8x1024xf32>, vector<8x1024xf32>, vector<8x1024xf32>, vector<8x1024xf32>, vector<8x1024xf32>, vector<8x1024xf32>, vector<8x1024xf32>, vector<8x1024xf32>, vector<8x1024xf32>, vector<8x1024xf32>, vector<8x1024xf32>, vector<8x1024xf32>, vector<8x1024xf32>, vector<8x1024xf32>, vector<8x1024xf32>, vector<8x1024xf32>, vector<8x1024xf32>, vector<8x1024xf32>, vector<8x1024xf32>, vector<8x1024xf32> -> vector<256x1024xf32>
    %dot_general3A_334 = arith.constant dense<0.000000e+00> : vector<1024x64xf32>
    %dot_general3A_335 = tpu.matmul %concatenate3A_333, %get3A_66, %dot_general3A_334 {dimension_numbers = #tpu.dot_dimension_numbers<[0], [0], [1], [1], [0, 1, 1, 1], [], []>, transpose_lhs_hint = false} : vector<256x1024xf32>, vector<256x64xf32>, vector<1024x64xf32> -> vector<1024x64xf32>
    %get3A_336 = arith.constant 5120 : index
    %get3A_337 = arith.constant 0 : index
    %get3A_338 = vector.load %arg1[%get3A_336, %get3A_337] : memref<8192x64xf32, #tpu.memory_space<vmem>>, vector<1024x64xf32>
    %add3A_339 = arith.addf %get3A_338, %dot_general3A_335 : vector<1024x64xf32>
    %add3A_340 = vector.broadcast %get3A_69 : vector<1x64xf32> to vector<1024x64xf32>
    %add3A_341 = arith.addf %add3A_339, %add3A_340 : vector<1024x64xf32>
    %mul3A_342 = arith.constant 5.000000e-01 : f32
    %mul3A_343 = vector.broadcast %mul3A_342 : f32 to vector<1024x64xf32>
    %mul3A_344 = arith.mulf %add3A_341, %mul3A_343 : vector<1024x64xf32>
    %swap3A_345 = arith.constant 5120 : index
    %swap3A_346 = arith.constant 0 : index
    %swap3A_347 = vector.load %arg6[%swap3A_345, %swap3A_346] : memref<8192x64xf32, #tpu.memory_space<vmem>>, vector<1024x64xf32>
    tpu.vector_store %arg6[%swap3A_345, %swap3A_346], %mul3A_344 {strides = array<i32>} : memref<8192x64xf32, #tpu.memory_space<vmem>>, vector<1024x64xf32>,
    %slice3A_348 = vector.extract_strided_slice %sin3A {offsets = [48, 0], sizes = [8, 1024], strides = [1, 1]} : vector<64x1024xf32> to vector<8x1024xf32>
    %slice3A_349 = vector.extract_strided_slice %mul3A_4 {offsets = [48, 0], sizes = [8, 1024], strides = [1, 1]} : vector<64x1024xf32> to vector<8x1024xf32>
    %slice3A_350 = vector.extract_strided_slice %sub3A_9 {offsets = [48, 0], sizes = [8, 1024], strides = [1, 1]} : vector<64x1024xf32> to vector<8x1024xf32>
    %slice3A_351 = vector.extract_strided_slice %sub3A_13 {offsets = [48, 0], sizes = [8, 1024], strides = [1, 1]} : vector<64x1024xf32> to vector<8x1024xf32>
    %slice3A_352 = vector.extract_strided_slice %sub3A_17 {offsets = [48, 0], sizes = [8, 1024], strides = [1, 1]} : vector<64x1024xf32> to vector<8x1024xf32>
    %slice3A_353 = vector.extract_strided_slice %sub3A_21 {offsets = [48, 0], sizes = [8, 1024], strides = [1, 1]} : vector<64x1024xf32> to vector<8x1024xf32>
    %slice3A_354 = vector.extract_strided_slice %sub3A_25 {offsets = [48, 0], sizes = [8, 1024], strides = [1, 1]} : vector<64x1024xf32> to vector<8x1024xf32>
    %slice3A_355 = vector.extract_strided_slice %sub3A_29 {offsets = [48, 0], sizes = [8, 1024], strides = [1, 1]} : vector<64x1024xf32> to vector<8x1024xf32>
    %slice3A_356 = vector.extract_strided_slice %sub3A_33 {offsets = [48, 0], sizes = [8, 1024], strides = [1, 1]} : vector<64x1024xf32> to vector<8x1024xf32>
    %slice3A_357 = vector.extract_strided_slice %sub3A_37 {offsets = [48, 0], sizes = [8, 1024], strides = [1, 1]} : vector<64x1024xf32> to vector<8x1024xf32>
    %slice3A_358 = vector.extract_strided_slice %sub3A_41 {offsets = [48, 0], sizes = [8, 1024], strides = [1, 1]} : vector<64x1024xf32> to vector<8x1024xf32>
    %slice3A_359 = vector.extract_strided_slice %sub3A_45 {offsets = [48, 0], sizes = [8, 1024], strides = [1, 1]} : vector<64x1024xf32> to vector<8x1024xf32>
    %slice3A_360 = vector.extract_strided_slice %sub3A_49 {offsets = [48, 0], sizes = [8, 1024], strides = [1, 1]} : vector<64x1024xf32> to vector<8x1024xf32>
    %slice3A_361 = vector.extract_strided_slice %sub3A_53 {offsets = [48, 0], sizes = [8, 1024], strides = [1, 1]} : vector<64x1024xf32> to vector<8x1024xf32>
    %slice3A_362 = vector.extract_strided_slice %sub3A_57 {offsets = [48, 0], sizes = [8, 1024], strides = [1, 1]} : vector<64x1024xf32> to vector<8x1024xf32>
    %slice3A_363 = vector.extract_strided_slice %sub3A_61 {offsets = [48, 0], sizes = [8, 1024], strides = [1, 1]} : vector<64x1024xf32> to vector<8x1024xf32>
    %slice3A_364 = vector.extract_strided_slice %cos3A {offsets = [48, 0], sizes = [8, 1024], strides = [1, 1]} : vector<64x1024xf32> to vector<8x1024xf32>
    %slice3A_365 = vector.extract_strided_slice %sub3A_7 {offsets = [48, 0], sizes = [8, 1024], strides = [1, 1]} : vector<64x1024xf32> to vector<8x1024xf32>
    %slice3A_366 = vector.extract_strided_slice %sub3A_11 {offsets = [48, 0], sizes = [8, 1024], strides = [1, 1]} : vector<64x1024xf32> to vector<8x1024xf32>
    %slice3A_367 = vector.extract_strided_slice %sub3A_15 {offsets = [48, 0], sizes = [8, 1024], strides = [1, 1]} : vector<64x1024xf32> to vector<8x1024xf32>
    %slice3A_368 = vector.extract_strided_slice %sub3A_19 {offsets = [48, 0], sizes = [8, 1024], strides = [1, 1]} : vector<64x1024xf32> to vector<8x1024xf32>
    %slice3A_369 = vector.extract_strided_slice %sub3A_23 {offsets = [48, 0], sizes = [8, 1024], strides = [1, 1]} : vector<64x1024xf32> to vector<8x1024xf32>
    %slice3A_370 = vector.extract_strided_slice %sub3A_27 {offsets = [48, 0], sizes = [8, 1024], strides = [1, 1]} : vector<64x1024xf32> to vector<8x1024xf32>
    %slice3A_371 = vector.extract_strided_slice %sub3A_31 {offsets = [48, 0], sizes = [8, 1024], strides = [1, 1]} : vector<64x1024xf32> to vector<8x1024xf32>
    %slice3A_372 = vector.extract_strided_slice %sub3A_35 {offsets = [48, 0], sizes = [8, 1024], strides = [1, 1]} : vector<64x1024xf32> to vector<8x1024xf32>
    %slice3A_373 = vector.extract_strided_slice %sub3A_39 {offsets = [48, 0], sizes = [8, 1024], strides = [1, 1]} : vector<64x1024xf32> to vector<8x1024xf32>
    %slice3A_374 = vector.extract_strided_slice %sub3A_43 {offsets = [48, 0], sizes = [8, 1024], strides = [1, 1]} : vector<64x1024xf32> to vector<8x1024xf32>
    %slice3A_375 = vector.extract_strided_slice %sub3A_47 {offsets = [48, 0], sizes = [8, 1024], strides = [1, 1]} : vector<64x1024xf32> to vector<8x1024xf32>
    %slice3A_376 = vector.extract_strided_slice %sub3A_51 {offsets = [48, 0], sizes = [8, 1024], strides = [1, 1]} : vector<64x1024xf32> to vector<8x1024xf32>
    %slice3A_377 = vector.extract_strided_slice %sub3A_55 {offsets = [48, 0], sizes = [8, 1024], strides = [1, 1]} : vector<64x1024xf32> to vector<8x1024xf32>
    %slice3A_378 = vector.extract_strided_slice %sub3A_59 {offsets = [48, 0], sizes = [8, 1024], strides = [1, 1]} : vector<64x1024xf32> to vector<8x1024xf32>
    %slice3A_379 = vector.extract_strided_slice %sub3A_63 {offsets = [48, 0], sizes = [8, 1024], strides = [1, 1]} : vector<64x1024xf32> to vector<8x1024xf32>
    %concatenate3A_380 = tpu.concatenate %slice3A_348, %slice3A_349, %slice3A_350, %slice3A_351, %slice3A_352, %slice3A_353, %slice3A_354, %slice3A_355, %slice3A_356, %slice3A_357, %slice3A_358, %slice3A_359, %slice3A_360, %slice3A_361, %slice3A_362, %slice3A_363, %slice3A_364, %slice3A_365, %slice3A_366, %slice3A_367, %slice3A_368, %slice3A_369, %slice3A_370, %slice3A_371, %slice3A_372, %slice3A_373, %slice3A_374, %slice3A_375, %slice3A_376, %slice3A_377, %slice3A_378, %slice3A_379 in 0 : vector<8x1024xf32>, vector<8x1024xf32>, vector<8x1024xf32>, vector<8x1024xf32>, vector<8x1024xf32>, vector<8x1024xf32>, vector<8x1024xf32>, vector<8x1024xf32>, vector<8x1024xf32>, vector<8x1024xf32>, vector<8x1024xf32>, vector<8x1024xf32>, vector<8x1024xf32>, vector<8x1024xf32>, vector<8x1024xf32>, vector<8x1024xf32>, vector<8x1024xf32>, vector<8x1024xf32>, vector<8x1024xf32>, vector<8x1024xf32>, vector<8x1024xf32>, vector<8x1024xf32>, vector<8x1024xf32>, vector<8x1024xf32>, vector<8x1024xf32>, vector<8x1024xf32>, vector<8x1024xf32>, vector<8x1024xf32>, vector<8x1024xf32>, vector<8x1024xf32>, vector<8x1024xf32>, vector<8x1024xf32> -> vector<256x1024xf32>
    %dot_general3A_381 = arith.constant dense<0.000000e+00> : vector<1024x64xf32>
    %dot_general3A_382 = tpu.matmul %concatenate3A_380, %get3A_66, %dot_general3A_381 {dimension_numbers = #tpu.dot_dimension_numbers<[0], [0], [1], [1], [0, 1, 1, 1], [], []>, transpose_lhs_hint = false} : vector<256x1024xf32>, vector<256x64xf32>, vector<1024x64xf32> -> vector<1024x64xf32>
    %get3A_383 = arith.constant 6144 : index
    %get3A_384 = arith.constant 0 : index
    %get3A_385 = vector.load %arg1[%get3A_383, %get3A_384] : memref<8192x64xf32, #tpu.memory_space<vmem>>, vector<1024x64xf32>
    %add3A_386 = arith.addf %get3A_385, %dot_general3A_382 : vector<1024x64xf32>
    %add3A_387 = vector.broadcast %get3A_69 : vector<1x64xf32> to vector<1024x64xf32>
    %add3A_388 = arith.addf %add3A_386, %add3A_387 : vector<1024x64xf32>
    %mul3A_389 = arith.constant 5.000000e-01 : f32
    %mul3A_390 = vector.broadcast %mul3A_389 : f32 to vector<1024x64xf32>
    %mul3A_391 = arith.mulf %add3A_388, %mul3A_390 : vector<1024x64xf32>
    %swap3A_392 = arith.constant 6144 : index
    %swap3A_393 = arith.constant 0 : index
    %swap3A_394 = vector.load %arg6[%swap3A_392, %swap3A_393] : memref<8192x64xf32, #tpu.memory_space<vmem>>, vector<1024x64xf32>
    tpu.vector_store %arg6[%swap3A_392, %swap3A_393], %mul3A_391 {strides = array<i32>} : memref<8192x64xf32, #tpu.memory_space<vmem>>, vector<1024x64xf32>,
    %slice3A_395 = vector.extract_strided_slice %sin3A {offsets = [56, 0], sizes = [8, 1024], strides = [1, 1]} : vector<64x1024xf32> to vector<8x1024xf32>
    %slice3A_396 = vector.extract_strided_slice %mul3A_4 {offsets = [56, 0], sizes = [8, 1024], strides = [1, 1]} : vector<64x1024xf32> to vector<8x1024xf32>
    %slice3A_397 = vector.extract_strided_slice %sub3A_9 {offsets = [56, 0], sizes = [8, 1024], strides = [1, 1]} : vector<64x1024xf32> to vector<8x1024xf32>
    %slice3A_398 = vector.extract_strided_slice %sub3A_13 {offsets = [56, 0], sizes = [8, 1024], strides = [1, 1]} : vector<64x1024xf32> to vector<8x1024xf32>
    %slice3A_399 = vector.extract_strided_slice %sub3A_17 {offsets = [56, 0], sizes = [8, 1024], strides = [1, 1]} : vector<64x1024xf32> to vector<8x1024xf32>
    %slice3A_400 = vector.extract_strided_slice %sub3A_21 {offsets = [56, 0], sizes = [8, 1024], strides = [1, 1]} : vector<64x1024xf32> to vector<8x1024xf32>
    %slice3A_401 = vector.extract_strided_slice %sub3A_25 {offsets = [56, 0], sizes = [8, 1024], strides = [1, 1]} : vector<64x1024xf32> to vector<8x1024xf32>
    %slice3A_402 = vector.extract_strided_slice %sub3A_29 {offsets = [56, 0], sizes = [8, 1024], strides = [1, 1]} : vector<64x1024xf32> to vector<8x1024xf32>
    %slice3A_403 = vector.extract_strided_slice %sub3A_33 {offsets = [56, 0], sizes = [8, 1024], strides = [1, 1]} : vector<64x1024xf32> to vector<8x1024xf32>
    %slice3A_404 = vector.extract_strided_slice %sub3A_37 {offsets = [56, 0], sizes = [8, 1024], strides = [1, 1]} : vector<64x1024xf32> to vector<8x1024xf32>
    %slice3A_405 = vector.extract_strided_slice %sub3A_41 {offsets = [56, 0], sizes = [8, 1024], strides = [1, 1]} : vector<64x1024xf32> to vector<8x1024xf32>
    %slice3A_406 = vector.extract_strided_slice %sub3A_45 {offsets = [56, 0], sizes = [8, 1024], strides = [1, 1]} : vector<64x1024xf32> to vector<8x1024xf32>
    %slice3A_407 = vector.extract_strided_slice %sub3A_49 {offsets = [56, 0], sizes = [8, 1024], strides = [1, 1]} : vector<64x1024xf32> to vector<8x1024xf32>
    %slice3A_408 = vector.extract_strided_slice %sub3A_53 {offsets = [56, 0], sizes = [8, 1024], strides = [1, 1]} : vector<64x1024xf32> to vector<8x1024xf32>
    %slice3A_409 = vector.extract_strided_slice %sub3A_57 {offsets = [56, 0], sizes = [8, 1024], strides = [1, 1]} : vector<64x1024xf32> to vector<8x1024xf32>
    %slice3A_410 = vector.extract_strided_slice %sub3A_61 {offsets = [56, 0], sizes = [8, 1024], strides = [1, 1]} : vector<64x1024xf32> to vector<8x1024xf32>
    %slice3A_411 = vector.extract_strided_slice %cos3A {offsets = [56, 0], sizes = [8, 1024], strides = [1, 1]} : vector<64x1024xf32> to vector<8x1024xf32>
    %slice3A_412 = vector.extract_strided_slice %sub3A_7 {offsets = [56, 0], sizes = [8, 1024], strides = [1, 1]} : vector<64x1024xf32> to vector<8x1024xf32>
    %slice3A_413 = vector.extract_strided_slice %sub3A_11 {offsets = [56, 0], sizes = [8, 1024], strides = [1, 1]} : vector<64x1024xf32> to vector<8x1024xf32>
    %slice3A_414 = vector.extract_strided_slice %sub3A_15 {offsets = [56, 0], sizes = [8, 1024], strides = [1, 1]} : vector<64x1024xf32> to vector<8x1024xf32>
    %slice3A_415 = vector.extract_strided_slice %sub3A_19 {offsets = [56, 0], sizes = [8, 1024], strides = [1, 1]} : vector<64x1024xf32> to vector<8x1024xf32>
    %slice3A_416 = vector.extract_strided_slice %sub3A_23 {offsets = [56, 0], sizes = [8, 1024], strides = [1, 1]} : vector<64x1024xf32> to vector<8x1024xf32>
    %slice3A_417 = vector.extract_strided_slice %sub3A_27 {offsets = [56, 0], sizes = [8, 1024], strides = [1, 1]} : vector<64x1024xf32> to vector<8x1024xf32>
    %slice3A_418 = vector.extract_strided_slice %sub3A_31 {offsets = [56, 0], sizes = [8, 1024], strides = [1, 1]} : vector<64x1024xf32> to vector<8x1024xf32>
    %slice3A_419 = vector.extract_strided_slice %sub3A_35 {offsets = [56, 0], sizes = [8, 1024], strides = [1, 1]} : vector<64x1024xf32> to vector<8x1024xf32>
    %slice3A_420 = vector.extract_strided_slice %sub3A_39 {offsets = [56, 0], sizes = [8, 1024], strides = [1, 1]} : vector<64x1024xf32> to vector<8x1024xf32>
    %slice3A_421 = vector.extract_strided_slice %sub3A_43 {offsets = [56, 0], sizes = [8, 1024], strides = [1, 1]} : vector<64x1024xf32> to vector<8x1024xf32>
    %slice3A_422 = vector.extract_strided_slice %sub3A_47 {offsets = [56, 0], sizes = [8, 1024], strides = [1, 1]} : vector<64x1024xf32> to vector<8x1024xf32>
    %slice3A_423 = vector.extract_strided_slice %sub3A_51 {offsets = [56, 0], sizes = [8, 1024], strides = [1, 1]} : vector<64x1024xf32> to vector<8x1024xf32>
    %slice3A_424 = vector.extract_strided_slice %sub3A_55 {offsets = [56, 0], sizes = [8, 1024], strides = [1, 1]} : vector<64x1024xf32> to vector<8x1024xf32>
    %slice3A_425 = vector.extract_strided_slice %sub3A_59 {offsets = [56, 0], sizes = [8, 1024], strides = [1, 1]} : vector<64x1024xf32> to vector<8x1024xf32>
    %slice3A_426 = vector.extract_strided_slice %sub3A_63 {offsets = [56, 0], sizes = [8, 1024], strides = [1, 1]} : vector<64x1024xf32> to vector<8x1024xf32>
    %concatenate3A_427 = tpu.concatenate %slice3A_395, %slice3A_396, %slice3A_397, %slice3A_398, %slice3A_399, %slice3A_400, %slice3A_401, %slice3A_402, %slice3A_403, %slice3A_404, %slice3A_405, %slice3A_406, %slice3A_407, %slice3A_408, %slice3A_409, %slice3A_410, %slice3A_411, %slice3A_412, %slice3A_413, %slice3A_414, %slice3A_415, %slice3A_416, %slice3A_417, %slice3A_418, %slice3A_419, %slice3A_420, %slice3A_421, %slice3A_422, %slice3A_423, %slice3A_424, %slice3A_425, %slice3A_426 in 0 : vector<8x1024xf32>, vector<8x1024xf32>, vector<8x1024xf32>, vector<8x1024xf32>, vector<8x1024xf32>, vector<8x1024xf32>, vector<8x1024xf32>, vector<8x1024xf32>, vector<8x1024xf32>, vector<8x1024xf32>, vector<8x1024xf32>, vector<8x1024xf32>, vector<8x1024xf32>, vector<8x1024xf32>, vector<8x1024xf32>, vector<8x1024xf32>, vector<8x1024xf32>, vector<8x1024xf32>, vector<8x1024xf32>, vector<8x1024xf32>, vector<8x1024xf32>, vector<8x1024xf32>, vector<8x1024xf32>, vector<8x1024xf32>, vector<8x1024xf32>, vector<8x1024xf32>, vector<8x1024xf32>, vector<8x1024xf32>, vector<8x1024xf32>, vector<8x1024xf32>, vector<8x1024xf32>, vector<8x1024xf32> -> vector<256x1024xf32>
    %dot_general3A_428 = arith.constant dense<0.000000e+00> : vector<1024x64xf32>
    %dot_general3A_429 = tpu.matmul %concatenate3A_427, %get3A_66, %dot_general3A_428 {dimension_numbers = #tpu.dot_dimension_numbers<[0], [0], [1], [1], [0, 1, 1, 1], [], []>, transpose_lhs_hint = false} : vector<256x1024xf32>, vector<256x64xf32>, vector<1024x64xf32> -> vector<1024x64xf32>
    %get3A_430 = arith.constant 7168 : index
    %get3A_431 = arith.constant 0 : index
    %get3A_432 = vector.load %arg1[%get3A_430, %get3A_431] : memref<8192x64xf32, #tpu.memory_space<vmem>>, vector<1024x64xf32>
    %add3A_433 = arith.addf %get3A_432, %dot_general3A_429 : vector<1024x64xf32>
    %add3A_434 = vector.broadcast %get3A_69 : vector<1x64xf32> to vector<1024x64xf32>
    %add3A_435 = arith.addf %add3A_433, %add3A_434 : vector<1024x64xf32>
    %mul3A_436 = arith.constant 5.000000e-01 : f32
    %mul3A_437 = vector.broadcast %mul3A_436 : f32 to vector<1024x64xf32>
    %mul3A_438 = arith.mulf %add3A_435, %mul3A_437 : vector<1024x64xf32>
    %swap3A_439 = arith.constant 7168 : index
    %swap3A_440 = arith.constant 0 : index
    %swap3A_441 = vector.load %arg6[%swap3A_439, %swap3A_440] : memref<8192x64xf32, #tpu.memory_space<vmem>>, vector<1024x64xf32>
    tpu.vector_store %arg6[%swap3A_439, %swap3A_440], %mul3A_438 {strides = array<i32>} : memref<8192x64xf32, #tpu.memory_space<vmem>>, vector<1024x64xf32>,
    %get3A_442 = arith.constant 0 : index
    %get3A_443 = arith.constant 0 : index
    %get3A_444 = vector.load %arg3[%get3A_442, %get3A_443] : memref<8x1024xi32, #tpu.memory_space<vmem>>, vector<8x1024xi32>
    %lt3A = arith.constant 0 : i32
    %lt3A_445 = vector.broadcast %lt3A : i32 to vector<8x1024xi32>
    %lt3A_446 = arith.cmpi slt, %get3A_444, %lt3A_445 : vector<8x1024xi32>
    %convert_element_type3A = arith.extui %lt3A_446 : vector<8x1024xi1> to vector<8x1024xi32>
    %swap3A_447 = arith.constant 0 : index
    %swap3A_448 = arith.constant 0 : index
    %swap3A_449 = vector.load %arg7[%swap3A_447, %swap3A_448] : memref<8x1024xi32, #tpu.memory_space<vmem>>, vector<8x1024xi32>
    tpu.vector_store %arg7[%swap3A_447, %swap3A_448], %convert_element_type3A {strides = array<i32>} : memref<8x1024xi32, #tpu.memory_space<vmem>>, vector<8x1024xi32>,
    return
  }
  func.func @transform_0(%arg0: i32) -> (i32, i32) {
    %c0_i32 = arith.constant 0 : i32
    %c0_i32_0 = arith.constant 0 : i32
    return %arg0, %c0_i32 : i32, i32
  }
  func.func @transform_1(%arg0: i32) -> (i32, i32) {
    %c0_i32 = arith.constant 0 : i32
    %c0_i32_0 = arith.constant 0 : i32
    return %arg0, %c0_i32 : i32, i32
  }
  func.func @transform_2(%arg0: i32) -> (i32, i32) {
    %c0_i32 = arith.constant 0 : i32
    %c0_i32_0 = arith.constant 0 : i32
    return %arg0, %c0_i32 : i32, i32
  }
  func.func @transform_3(%arg0: i32) -> (i32, i32) {
    %c0_i32 = arith.constant 0 : i32
    %c0_i32_0 = arith.constant 0 : i32
    %c0_i32_1 = arith.constant 0 : i32
    return %c0_i32, %c0_i32_0 : i32, i32
  }
  func.func @transform_4(%arg0: i32) -> (i32, i32) {
    %c0_i32 = arith.constant 0 : i32
    %c0_i32_0 = arith.constant 0 : i32
    %c0_i32_1 = arith.constant 0 : i32
    return %c0_i32, %c0_i32_0 : i32, i32
  }
  func.func @transform_5(%arg0: i32) -> (i32, i32) {
    %c0_i32 = arith.constant 0 : i32
    %c0_i32_0 = arith.constant 0 : i32
    return %arg0, %c0_i32 : i32, i32
  }
  func.func @transform_6(%arg0: i32) -> (i32, i32) {
    %c0_i32 = arith.constant 0 : i32
    %c0_i32_0 = arith.constant 0 : i32
    return %arg0, %c0_i32 : i32, i32
  }
}

</mosaic_0001>

<sc_bundles>
// kernel: kernel.4.cloned.1.call-start
scs
__scs_entry_jumppad:
0x0: {  	(pc) =	sbr.rel $0x88, $3  }
0x1: {  	(tag) =	ssettag $0x0;
	lr =	simm.s32 $0x1  }
0x2: {  	[smem:$0x3F9A] =	sst lr;
	_ =	strace $0xD0000000  }
0x3: {  	_ = 	snop  }
0x4: {  	_ = 	snop  }
0x5: {  	_ = 	snop  }
0x6: {  	_ = 	snop  }
0x7: {  	_ = 	snop  }
__scs_overlays_trampoline_lowered:
0x8: {  	[smem:$0x3FA9] =	sst s0  }
0x9: {  	[smem:$0x3FAA] =	sst s1  }
0xa: {  	[smem:$0x3FAB] =	sst s2  }
0xb: {  	[smem:$0x3FAC] =	sst s3  }
0xc: {  	[smem:$0x3FAD] =	sst s4  }
0xd: {  	[smem:$0x3FAE] =	sst s5  }
0xe: {  	[smem:$0x3FAF] =	sst s6  }
0xf: {  	[smem:$0x3FB0] =	sst s7  }
0x10: {  	[smem:$0x3FB1] =	sst s8  }
0x11: {  	[smem:$0x3FB2] =	sst s9;
	s0 =	simm.s32 @!p0 $0x0  }
0x12: {  	s1 =	sld [smem:$0x3F98];
	s0 =	simm.s32 @p0 $0x1  }
0x13: {  	[smem:$0x3FB3] =	sst s0;
	s0 =	simm.s32 @!p1 $0x0  }
0x14: {  	s2 =	sld [smem:$0x3F97];
	s0 =	simm.s32 @p1 $0x1  }
0x15: {  	[smem:$0x3FB4] =	sst s0;
	s0 =	simm.s32 @!p2 $0x0  }
0x16: {  	s3 =	sld [smem:$0x3FDB];
	s0 =	simm.s32 @p2 $0x1  }
0x17: {  	s4 =	simm.s32 $0x1BF5;
	[smem:$0x3FB6] =	sst s0  }
0x18: {  	s0 =	sld [smem:$0x3F99];
	_ =	swait.ge [sflag:s4], $0x0  }
0x19: {  	s7 =	sld [smem:$0x3F9A]  }
0x1a: {  	s8 =	sadd.s32 $0xFFFFE003, lr  }
0x1b: {  	s9 =	sadd.s32 $0xFFFFFEF7, lr;
	s5 =	simm.s32 $0xFFFFFFFF;
	p2 =	slt.u32 s8, $0xFFFFF086  }
0x1c: {  	p1 =	slt.u32 s9, $0xF7A;
	s5 =	simm.s32 @!p2 $0x0  }
0x1d: {  	s5 =	simm.s32 @p1 $0x1;
	p0 =	seq.s32 s7, s2  }
0x1e: {  	s7 =	smul.u32 @!p0 $0xF7A, s2;
	p2 =	seq.s32 @!p0 s5, $0x0  }
0x1f: {  	s9 =	smul.u32 $0xF7A, s1;
	s8 =	simm.s32 @!p0 $0x1BF5;
	p2 =	por !p2, p0  }
0x20: {  	[sflag:s8] =	ssyncset.s32 @!p0 $0xFFFFF086;
	s6 =	sadd.s32 @!p0 s3, s7;
	s7 =	simm.s32 @!p0 $0x108  }
0x21: {  	s3 =	sadd.s32 s3, s9;
	s6 =	sadd.s32 @!p0 $0x88, s6;
	s7 =	simm.s32 @p2 $0x1082  }
0x22: {  	[simem:s7], [sflag:s8] =	dma.local @!p0 [hbm:s6], $0xF7A  }
0x23: {  	s9 =	sor.u32 $0xD0000000, s2;
	s6 =	simm.s32 $0x108;
	_ =	swait.ge @!p0 [sflag:s8], $0x0  }
0x24: {  	s3 =	sadd.s32 $0x88, s3;
	s6 =	simm.s32 @!p1 $0x1082;
	[sflag:s4] =	ssyncset.s32 $0xFFFFF086  }
0x25: {  	[simem:s6], [sflag:s4] =	dma.local [hbm:s3], $0xF7A  }
0x26: {  	[smem:$0x3F9A] =	sst s1;
	(tag) =	ssettag s2;
	_ =	strace s9  }
0x27: {  	s1 =	sld [smem:$0x3FAA]  }
0x28: {  	s2 =	sld [smem:$0x3FAB]  }
0x29: {  	s4 =	sld [smem:$0x3FAD]  }
0x2a: {  	p0 =	seq.s32 s5, $0x0;
	s5 =	sld [smem:$0x3FAE]  }
0x2b: {  	s6 =	sld [smem:$0x3FAF]  }
0x2c: {  	s7 =	sld [smem:$0x3FB0]  }
0x2d: {  	s3 =	simm.s32 $0x108;
	s8 =	sld [smem:$0x3FB1]  }
0x2e: {  	s3 =	simm.s32 @!p0 $0x1082;
	s9 =	sld [smem:$0x3FB2]  }
0x2f: {  	lr =	sadd.s32 s0, s3;
	s0 =	sld [smem:$0x3FA9]  }
0x30: {  	s3 =	sld [smem:$0x3FAC]  }
0x31: {  	[smem:$0x3FB5] =	sst s10  }
0x32: {  	s10 =	sld [smem:$0x3FB3];
	_ =	sdelay $0x3  }
0x33: {  	p0 =	seq.s32 s10, $0x1;
	s10 =	sld [smem:$0x3FB5];
	_ =	sdelay $0x3  }
0x34: {  	[smem:$0x3FB5] =	sst s10  }
0x35: {  	s10 =	sld [smem:$0x3FB4];
	_ =	sdelay $0x3  }
0x36: {  	p1 =	seq.s32 s10, $0x1;
	s10 =	sld [smem:$0x3FB5];
	_ =	sdelay $0x3  }
0x37: {  	[smem:$0x3FB5] =	sst s10  }
0x38: {  	s10 =	sld [smem:$0x3FB6]  }
0x39: {  	_ = 	snop;
	(pc) =	sbr.ind lr, $3  }
0x3a: {  	_ = 	snop  }
0x3b: {  	_ = 	snop  }
0x3c: {  	p2 =	seq.s32 s10, $0x1;
	s10 =	sld [smem:$0x3FB5]  }
0x3d: {  	_ =	shalt  }
0x3e: {  	_ =	shalt  }
0x3f: {  	_ =	shalt  }
0x40: {  	_ =	shalt  }
0x41: {  	_ =	shalt  }
0x42: {  	_ =	shalt  }
0x43: {  	_ =	shalt  }
0x44: {  	_ =	shalt  }
0x45: {  	_ =	shalt  }
0x46: {  	_ =	shalt  }
0x47: {  	_ =	shalt  }
0x48: {  	_ =	shalt  }
0x49: {  	_ =	shalt  }
0x4a: {  	_ =	shalt  }
0x4b: {  	_ =	shalt  }
0x4c: {  	_ =	shalt  }
0x4d: {  	_ =	shalt  }
0x4e: {  	_ =	shalt  }
0x4f: {  	_ =	shalt  }
0x50: {  	_ =	shalt  }
0x51: {  	_ =	shalt  }
0x52: {  	_ =	shalt  }
0x53: {  	_ =	shalt  }
0x54: {  	_ =	shalt  }
0x55: {  	_ =	shalt  }
0x56: {  	_ =	shalt  }
0x57: {  	_ =	shalt  }
0x58: {  	_ =	shalt  }
0x59: {  	_ =	shalt  }
0x5a: {  	_ =	shalt  }
0x5b: {  	_ =	shalt  }
0x5c: {  	_ =	shalt  }
0x5d: {  	_ =	shalt  }
0x5e: {  	_ =	shalt  }
0x5f: {  	_ =	shalt  }
0x60: {  	_ =	shalt  }
0x61: {  	_ =	shalt  }
0x62: {  	_ =	shalt  }
0x63: {  	_ =	shalt  }
0x64: {  	_ =	shalt  }
0x65: {  	_ =	shalt  }
0x66: {  	_ =	shalt  }
0x67: {  	_ =	shalt  }
0x68: {  	_ =	shalt  }
0x69: {  	_ =	shalt  }
0x6a: {  	_ =	shalt  }
0x6b: {  	_ =	shalt  }
0x6c: {  	_ =	shalt  }
0x6d: {  	_ =	shalt  }
0x6e: {  	_ =	shalt  }
0x6f: {  	_ =	shalt  }
0x70: {  	_ =	shalt  }
0x71: {  	_ =	shalt  }
0x72: {  	_ =	shalt  }
0x73: {  	_ =	shalt  }
0x74: {  	_ =	shalt  }
0x75: {  	_ =	shalt  }
0x76: {  	_ =	shalt  }
0x77: {  	_ =	shalt  }
0x78: {  	_ =	shalt  }
0x79: {  	_ =	shalt  }
0x7a: {  	_ =	shalt  }
0x7b: {  	_ =	shalt  }
0x7c: {  	_ =	shalt  }
0x7d: {  	_ =	shalt  }
0x7e: {  	_ =	shalt  }
0x7f: {  	_ =	shalt  }
0x80: {  	_ =	shalt  }
0x81: {  	_ =	shalt  }
0x82: {  	_ =	shalt  }
0x83: {  	_ =	shalt  }
0x84: {  	_ =	shalt  }
0x85: {  	_ =	shalt  }
0x86: {  	_ =	shalt  }
0x87: {  	_ =	shalt  }
.Lfunc_end0:
.L_simem_size_0:
called_computation.1_lowered:
.L_overlay_start_0:
0x88: {  	s2 =	sld [smem:$0x3FD9]  }
0x89: {  	s3 =	sld [smem:$0x3FFE];
	_ =	sdelay $0x1  }
0x8a: {  	s1 =	srdreg.scid  }
0x8b: {  	s0 =	sand.u32 $0x1, s1  }
0x8c: {  	s14 =	sshll.u32 s0, $0xA;
	s2 =	sadd.s32 s3, s2  }
0x8d: {  	s2 =	sadd.s32 s2, s14  }
0x8e: {  	[smem:$0x3FC1] =	sst s2  }
0x8f: {  	_ = 	snop  }
0x90: {  	s2 =	sld [smem:$0x3FD0];
	_ =	sdelay $0x2  }
0x91: {  	s15 =	simm.s32 $0xA;
	s4 =	simm.s32 $0x10  }
0x92: {  	[smem:s4], [sflag:s15] =	dma.local [hbm:s2], $0x1  }
0x93: {  	_ =	swait.eq [sflag:s15], $0x1  }
0x94: {  	[sflag:s15] =	ssyncset.done $0x0  }
0x95: {  	[sflag:s15] =	ssyncadd.s32 $0xFFFFFFFF  }
0x96: {  	s16 =	sld [smem:$0x10];
	(tm) =	ssettm $0x1  }
0x97: {  	s17 =	sld [smem:$0x3FFB];
	_ =	sdelay $0x3  }
0x98: {  	_ =	strace s17  }
0x99: {  	s3 =	sld [smem:$0x3FFC];
	_ =	sdelay $0x3  }
0x9a: {  	_ =	strace s3  }
0x9b: {  	s3 =	sld [smem:$0x3FFD];
	_ =	sdelay $0x3  }
0x9c: {  	_ =	strace s3  }
0x9d: {  	_ =	strace $0x8FFFFFFF  }
0x9e: {  	s18 =	sld [smem:$0x3FDB];
	_ =	sdelay $0x1  }
0x9f: {  	s19 =	simm.s32 $_scs_section_size  }
0xa0: {  	s5 =	simm.s32 $_size__tile_overlayer_lowered;
	s6 =	simm.s32 $_tile_overlayer_lowered  }
0xa1: {  	s22 =	simm.s32 $0x1BFF;
	s21 =	sshll.u32 s6, $0x1;
	s3 =	sadd.s32 s19, s18  }
0xa2: {  	s7 =	simm.s32 $0x0;
	s20 =	sshll.u32 s5, $0x1;
	s5 =	sadd.s32 s21, s3  }
0xa3: {  	[timem:s7], [sflag:s22] =	dma.local [hbm:s5], s20  }
0xa4: {  	_ =	swait.ge [sflag:s22], s20  }
0xa5: {  	s4 =	ssub.s32 $0x0, s20;
	[sflag:s22] =	ssyncset.done $0x0  }
0xa6: {  	[sflag:s22] =	ssyncadd.s32 s4;
	_ =	sdelay $0x1  }
0xa7: {  	s23 =	simm.s32 $0x1B8B  }
0xa8: {  	_ =	swait.ge [sflag:s23], $0x1  }
0xa9: {  	[sflag:s23] =	ssyncset.done $0x0  }
0xaa: {  	s25 =	simm.s32 $0x1B8E;
	s24 =	sld [smem:$0x3FFE];
	[sflag:s23] =	ssyncadd.s32 $0xFFFFFFFF  }
0xab: {  	s26 =	simm.s32 $execute0_lowered;
	[smem:$0x3FD2] =	sst s25  }
0xac: {  	s5 =	sshll.u32 s26, $0x1;
	_ =	strace $0x80000046;
	[dreg:$0x1] =	wrdreg $0xFFFFFFFF  }
0xad: {  	s28 =	simm.s32 $_size_execute0_lowered;
	s3 =	sadd.s32 s3, s5;
	[dreg:$0x0] =	wrdreg $0x0  }
0xae: {  	s5 =	sshll.u32 s28, $0x1;
	[dreg:$0x2] =	wrdreg s3  }
0xaf: {  	[dreg:$0x3] =	wrdreg s5  }
0xb0: {  	[dreg:$0x4] =	wrdreg $0xC0  }
0xb1: {  	_ =	task [dreg:s7], $0x5FFFF  }
0xb2: {  	[dreg:$0x1] =	wrdreg $0xFFFFFFFF  }
0xb3: {  	[dreg:$0x0] =	wrdreg $0x60  }
0xb4: {  	[dreg:$0x2] =	wrdreg s24  }
0xb5: {  	[dreg:$0x3] =	wrdreg s16  }
0xb6: {  	[dreg:$0x4] =	wrdreg $0x9  }
0xb7: {  	_ =	task.clear_ibuf [dreg:s7], $0x5FFFF;
	_ =	strace $0x90000046  }
0xb8: {  	s29 =	simm.s32 $0x9;
	_ =	strace $0x80000048  }
0xb9: {  	_ =	swait.ge [sflag:s29], $0x1  }
0xba: {  	[sflag:s29] =	ssyncadd.s32 $0xFFFFFFFF  }
0xbb: {  	_ =	strace $0x90000048  }
0xbc: {  	_ =	sfence  }
0xbd: {  	s30 =	sld [smem:$0x0];
	_ =	sdelay $0x2  }
0xbe: {  	s31 =	sshll.u32 s1, $0xD;
	s1 =	sshrl.u32 s1, $0x2  }
0xbf: {  	s3 =	sand.u32 $0x4000, s31;
	s1 =	sadd.s32 s1, s30  }
0xc0: {  	s0 =	sor.u32 s3, s0;
	s1 =	sshll.u32 s1, $0x11  }
0xc1: {  	s0 =	sor.u32 s1, s0  }
0xc2: {  	s0 =	sadd.s32 $0x8F2B, s0  }
0xc3: {  	[sflag:s0] =	ssyncadd.remote.s32 $0x1  }
0xc4: {  	_ =	sfence.sel $0xFFFF  }
0xc5: {  	[dreg:$0x0] =	wrdreg $0xFFFFFFFF;
	(pc) =	sbr.abs _section_cstart, $3  }
0xc6: {  	[dreg:$0x1] =	wrdreg $0xFFFFFFFF  }
0xc7: {  	_ =	task.clear_ibuf [dreg:s7], $0x2FFFF;
	_ =	strace $0x9FFFFFFF  }
0xc8: {  	(tm) =	ssettm $0x7FFFFFFF  }
0xc9: {  	_ =	shalt  }
tec
execute0_lowered:
.L_overlay_start_1:
0x0: {  	(tag) =	ssettag $0x1  }
0x1: {  	s7 =	rddreg [dreg:$0x0];
	s1 =	srdreg.scid  }
0x2: {  	s0 =	stileid.u32;
	s2 =	rddreg [dreg:$0x1];
	s3 =	simm.s32 $0x0  }
0x3: {  	s12 =	simm.s32 $0x2;
	s13 =	simm.s32 $0x1900;
	s14 =	simm.s32 $0x3200  }
0x4: {  	s15 =	simm.s32 $0x80;
	s16 =	simm.s32 $0x4B00;
	s17 =	simm.s32 $0x6B00  }
0x5: {  	s18 =	simm.s32 $0x8B00;
	s19 =	simm.s32 $0xAB00;
	s20 =	simm.s32 $0xCB00  }
0x6: {  	s21 =	simm.s32 $0xEB00;
	s22 =	simm.s32 $0x1;
	s23 =	simm.s32 $0x10B00  }
0x7: {  	s5 =	sand.u32 $0x1, s1;
	s4 =	sshll.u32 s0, $0x1;
	s1 =	rddreg [dreg:$0x2]  }
0x8: {  	s24 =	simm.s32 $0x0;
	[smem:$0x7FF] =	sst s3;
	s10 =	sor.u32 s5, s4  }
0x9: {  	_ =	strace $0x80000047;
	s8 =	ssub.s32 $0x2, s5;
	s6 =	smul.u32 $0x1900, s10  }
0xa: {  	s4 =	sadd.s32 $0x15E00, s7;
	s5 =	sadd.s32 $0xD9400, s7;
	s11 =	sshrl.u32 s8, $0x1  }
0xb: {  	s10 =	smul.u32 $0x19, s10;
	s11 =	ssub.s32 s8, s11;
	s9 =	sshrl.u32 s6, $0x3  }
0xc: {  	s6 =	sadd.s32 $0x19CA00, s7;
	s11 =	smax.u32 s11, $0x1;
	s9 =	sadd.s32 s9, s7  }
0xd: {  	s7 =	sadd.s32 $0x3200, s9;
	s8 =	sadd.s32 $0x9600, s9;
	s9 =	sadd.s32 $0xFA00, s9  }
.LBB2_1:
0xe: {  	[tilespmem:s3], [sflag:$0x2] =	stream.linear.gather [hbm4b:s7+s3], $0x1900, $0x38;
	[tilespmem:$0x14B00] =	vst v63  }
0xf: {  	_ =	swait.ge [sflag:s12], $0x1900  }
0x10: {  	[sflag:s12] =	ssyncset.done $0x0  }
0x11: {  	[sflag:s12] =	ssyncadd.s32 $0xFFFFE700  }
0x12: {  	[tilespmem:s13], [sflag:$0x2] =	stream.linear.gather [hbm4b:s8+s3], $0x1900, $0x38;
	[tilespmem:$0x14B00] =	vst v63  }
0x13: {  	_ =	swait.ge [sflag:s12], $0x1900  }
0x14: {  	[sflag:s12] =	ssyncset.done $0x0  }
0x15: {  	[sflag:s12] =	ssyncadd.s32 $0xFFFFE700  }
0x16: {  	[tilespmem:s14], [sflag:$0x2] =	stream.linear.gather [hbm4b:s9+s3], $0x1900, $0x38;
	[tilespmem:$0x14B00] =	vst v63  }
0x17: {  	_ =	swait.ge [sflag:s12], $0x1900  }
0x18: {  	[sflag:s12] =	ssyncset.done $0x0  }
0x19: {  	s25 =	simm.s32 $0x0;
	[sflag:s12] =	ssyncadd.s32 $0xFFFFE700  }
.LBB2_2:
0x1a: {  	s26 =	sshll.u32 s25, $0x8  }
0x1b: {  	s26 =	sand.u32 $0x3FFFFF00, s26  }
0x1c: {  	[tilespmem:s16], [sflag:$0x1] =	stream.indirect.gather [hbm4b:s4+s15], $0x40, s26, s15, $0xb8;
	[tilespmem:$0x14B00] =	vst v63  }
0x1d: {  	s28 =	sor.u32 $0x80, s26  }
0x1e: {  	[tilespmem:s17], [sflag:$0x1] =	stream.indirect.gather [hbm4b:s4+s15], $0x40, s28, s15, $0xb8;
	[tilespmem:$0x14B00] =	vst v63  }
0x1f: {  	s28 =	sadd.s32 $0x1900, s26  }
0x20: {  	[tilespmem:s18], [sflag:$0x1] =	stream.indirect.gather [hbm4b:s5+s15], $0x40, s28, s15, $0xb8;
	[tilespmem:$0x14B00] =	vst v63  }
0x21: {  	s28 =	sadd.s32 $0x1980, s26  }
0x22: {  	[tilespmem:s19], [sflag:$0x1] =	stream.indirect.gather [hbm4b:s5+s15], $0x40, s28, s15, $0xb8;
	[tilespmem:$0x14B00] =	vst v63  }
0x23: {  	s28 =	sadd.s32 $0x3200, s26  }
0x24: {  	[tilespmem:s20], [sflag:$0x1] =	stream.indirect.gather [hbm4b:s6+s15], $0x40, s28, s15, $0xb8;
	[tilespmem:$0x14B00] =	vst v63  }
0x25: {  	s26 =	sadd.s32 $0x3280, s26  }
0x26: {  	[tilespmem:s21], [sflag:$0x1] =	stream.indirect.gather [hbm4b:s6+s15], $0x40, s26, s15, $0xb8;
	[tilespmem:$0x14B00] =	vst v63  }
0x27: {  	_ =	swait.ge [sflag:s22], $0x2000  }
0x28: {  	[sflag:s22] =	ssyncset.done $0x0  }
0x29: {  	[sflag:s22] =	ssyncadd.s32 $0xFFFFE000  }
0x2a: {  	_ =	swait.ge [sflag:s22], $0x2000  }
0x2b: {  	[sflag:s22] =	ssyncset.done $0x0  }
0x2c: {  	[sflag:s22] =	ssyncadd.s32 $0xFFFFE000  }
0x2d: {  	_ =	swait.ge [sflag:s22], $0x2000  }
0x2e: {  	[sflag:s22] =	ssyncset.done $0x0  }
0x2f: {  	[sflag:s22] =	ssyncadd.s32 $0xFFFFE000  }
0x30: {  	_ =	swait.ge [sflag:s22], $0x2000  }
0x31: {  	[sflag:s22] =	ssyncset.done $0x0  }
0x32: {  	[sflag:s22] =	ssyncadd.s32 $0xFFFFE000  }
0x33: {  	_ =	swait.ge [sflag:s22], $0x2000  }
0x34: {  	[sflag:s22] =	ssyncset.done $0x0  }
0x35: {  	[sflag:s22] =	ssyncadd.s32 $0xFFFFE000  }
0x36: {  	_ =	swait.ge [sflag:s22], $0x2000  }
0x37: {  	[sflag:s22] =	ssyncset.done $0x0  }
0x38: {  	s26 =	simm.s32 $0x0;
	[sflag:s22] =	ssyncadd.s32 $0xFFFFE000  }
0x39: {  	v0 =	vld [tilespmem:s26+$0x4B30]  }
0x3a: {  	v1 =	vld [tilespmem:s26+$0x8B30]  }
0x3b: {  	v6 =	vld [tilespmem:s26+$0x4B00]  }
0x3c: {  	v3 =	vld [tilespmem:s26+$0xCB30]  }
0x3d: {  	v7 =	vld [tilespmem:s26+$0x8B00]  }
0x3e: {  	v8 =	vld [tilespmem:s26+$0x4B10]  }
0x3f: {  	v9 =	vld [tilespmem:s26+$0x8B10]  }
0x40: {  	v2 =	vld [tilespmem:s26+$0x8B20];
	v1 =	vadd.f32 v1, v0  }
0x41: {  	v0 =	vld [tilespmem:s26+$0x4B20]  }
0x42: {  	v5 =	vld [tilespmem:s26+$0xCB00];
	v1 =	vadd.f32 v3, v1  }
0x43: {  	v3 =	vld [tilespmem:s26+$0xCB10]  }
0x44: {  	s28 =	simm.s32 $0x40;
	v4 =	vld [tilespmem:s26+$0xCB20];
	[tilespmem:s26+$0x10B30] =	vst v1  }
0x45: {  	s29 =	simm.s32 $0x200;
	v6 =	vadd.f32 v7, v6;
	v7 =	vadd.f32 v9, v8;
	v1 =	vld [tilespmem:s28+$0x4B30]  }
.LBB2_3:
0x46: {  	p0 =	sne.s32 s29, $0xFF00;
	v8 =	vld [tilespmem:s28+$0x8B30];
	v0 =	vadd.f32 v2, v0  }
0x47: {  	v9 =	vld [tilespmem:s28+$0x4B00];
	v2 =	vadd.f32 v5, v6  }
0x48: {  	v5 =	vld [tilespmem:s28+$0xCB30];
	v3 =	vadd.f32 v3, v7  }
0x49: {  	v6 =	vld [tilespmem:s28+$0x8B00];
	[tilespmem:s26+$0x10B00] =	vst v2;
	v0 =	vadd.f32 v4, v0  }
0x4a: {  	v4 =	vld [tilespmem:s28+$0x4B10];
	[tilespmem:s26+$0x10B10] =	vst v3  }
0x4b: {  	v7 =	vld [tilespmem:s28+$0x8B10];
	v1 =	vadd.f32 v8, v1;
	[tilespmem:s26+$0x10B20] =	vst v0;
	s26 =	smov.u32 s28  }
0x4c: {  	v0 =	vld [tilespmem:s26+$0x4B20]  }
.Ltmp0:
0x4d: {  	v2 =	vld [tilespmem:s26+$0x8B20];
	v1 =	vadd.f32 v5, v1;
	(pc) =	sbr.rel @p0 .LBB2_3-.Ltmp0, $4  }
0x4e: {  	v6 =	vadd.f32 v6, v9;
	v5 =	vld [tilespmem:s26+$0xCB00]  }
0x4f: {  	v3 =	vld [tilespmem:s26+$0xCB10];
	[tilespmem:s26+$0x10B30] =	vst v1  }
0x50: {  	s28 =	sshra.s32 s29, $0x2;
	v7 =	vadd.f32 v7, v4;
	v4 =	vld [tilespmem:s26+$0xCB20]  }
0x51: {  	s29 =	sadd.s32 $0x100, s29;
	v1 =	vld [tilespmem:s28+$0x4B30]  }
0x52: {  	v8 =	vld [tilespmem:s28+$0x8B30]  }
0x53: {  	v9 =	vld [tilespmem:s28+$0x4B00];
	v0 =	vadd.f32 v2, v0;
	v5 =	vadd.f32 v5, v6  }
0x54: {  	v54 =	vld [tilespmem:s28+$0xCB30];
	v55 =	vadd.f32 v3, v7  }
0x55: {  	v10 =	vld [tilespmem:s28+$0x8B00];
	[tilespmem:s26+$0x10B00] =	vst v5;
	v0 =	vadd.f32 v4, v0  }
0x56: {  	v56 =	vld [tilespmem:s28+$0x4B10];
	[tilespmem:s26+$0x10B10] =	vst v55  }
0x57: {  	v2 =	vld [tilespmem:s28+$0x8B10];
	[tilespmem:s26+$0x10B20] =	vst v0  }
0x58: {  	v58 =	vld [tilespmem:s28+$0x4B20]  }
0x59: {  	v59 =	vld [tilespmem:s28+$0x8B20]  }
0x5a: {  	v5 =	vld [tilespmem:s28+$0xCB00]  }
0x5b: {  	v60 =	vld [tilespmem:s28+$0xCB10]  }
0x5c: {  	v57 =	vadd.f32 v8, v1;
	v61 =	vld [tilespmem:s28+$0xCB20]  }
0x5d: {  	v62 =	vadd.f32 v10, v9  }
0x5e: {  	v0 =	vadd.f32 v54, v57;
	v2 =	vadd.f32 v2, v56  }
0x5f: {  	v1 =	vadd.f32 v59, v58;
	v63 =	vadd.f32 v5, v62  }
0x60: {  	[tilespmem:s28+$0x10B30] =	vst v0;
	v2 =	vadd.f32 v60, v2  }
0x61: {  	s31 =	sadd.s32 s10, s25;
	s25 =	sadd.s32 $0x1, s25;
	[tilespmem:s28+$0x10B00] =	vst v63;
	v0 =	vadd.f32 v61, v1  }
0x62: {  	p0 =	sne.s32 s25, $0x19;
	s26 =	sshll.u32 s31, $0xB;
	[tilespmem:s28+$0x10B10] =	vst v2  }
.Ltmp1:
0x63: {  	s26 =	sadd.s32 s2, s26;
	[tilespmem:s28+$0x10B20] =	vst v0;
	(pc) =	sbr.rel @p0 .LBB2_2-.Ltmp1, $4  }
0x64: {  	[hbm4b:s26+s3] =	stream.linear.scatter [tilespmem:s23], [sflag:$0x2], $0x4000, $0x38;
	[tilespmem:$0x14B00] =	vst v63  }
0x65: {  	_ =	swait.ge [sflag:s12], $0x4000  }
0x66: {  	[sflag:s12] =	ssyncset.done $0x0  }
0x67: {  	[sflag:s12] =	ssyncadd.s32 $0xFFFFC000  }
0x68: {  	s24 =	sadd.s32 $0x1, s24  }
0x69: {  	p0 =	sne.s32 s24, s11  }
.Ltmp2:
0x6a: {  	_ = 	snop;
	(pc) =	sbr.rel @p0 .LBB2_1-.Ltmp2, $1  }
0x6b: {  	_ =	sdelay $0x3  }
0x6c: {  	_ =	sfence.sel $0x180000  }
0x6d: {  	[bflag:$0x0] =	sbarrier.arrive $0xFFFF  }
0x6e: {  	p0 =	sne.s32 s0, $0x0;
	_ =	strace $0x90000047  }
0x6f: {  	s0 =	sadd.s32 @!p0 $0x100000, s1;
	[bflag:$0x2] =	sbarrier.arrive $0xFFFF  }
0x70: {  	[sflag:s0] =	ssyncadd.tile.s32 @!p0 $0x1;
	_ =	shalt  }
.Lfunc_end2:
_tile_overlayer_lowered:
.L_overlay_start_2:
0x71: {  	(tag) =	ssettag $0x2  }
0x72: {  	s0 =	rddreg [dreg:$0x0];
	s2 =	stileid.u32  }
0x73: {  	s1 =	rddreg [dreg:$0x1];
	p0 =	sne.s32 s2, $0x0  }
0x74: {  	s3 =	rddreg [dreg:$0x2];
	[bflag:$0x3] =	sbarrier.arrive $0xFFFF;
	s2 =	simm.s32 @!p0 $0x1C02  }
0x75: {  	[timem:s3], [sflag:s2] =	dma.local @!p0 [hbm:s0], s1  }
0x76: {  	s0 =	simm.s32 @!p0 $0x2  }
0x77: {  	_ =	swait.ge @!p0 [sflag:s0], s1  }
0x78: {  	s1 =	ssub.s32 @!p0 $0x0, s1;
	[sflag:s0] =	ssyncset.done @!p0 $0x0  }
0x79: {  	[sflag:s0] =	ssyncadd.s32 @!p0 s1  }
0x7a: {  	[bflag:$0x3] =	sbarrier.arrive $0xFFFF  }
0x7b: {  	_ =	shalt  }

// kernel: sparse-core-data-format-call.cloned.1.call-start
scs
called_computation_lowered:
.L_overlay_start_0:
0x0: {  	s2 =	sld [smem:$0x3FD9]  }
0x1: {  	s3 =	sld [smem:$0x3FFE];
	_ =	sdelay $0x1  }
0x2: {  	s1 =	srdreg.scid  }
0x3: {  	s0 =	sand.u32 $0x1, s1  }
0x4: {  	s15 =	sshll.u32 s0, $0xA;
	s2 =	sadd.s32 s3, s2  }
0x5: {  	s2 =	sadd.s32 s2, s15  }
0x6: {  	[smem:$0x3FC1] =	sst s2  }
0x7: {  	_ = 	snop  }
0x8: {  	s2 =	sld [smem:$0x3FD0];
	_ =	sdelay $0x2  }
0x9: {  	s16 =	simm.s32 $0xA;
	s4 =	simm.s32 $0x10  }
0xa: {  	[smem:s4], [sflag:s16] =	dma.local [hbm:s2], $0x1  }
0xb: {  	_ =	swait.eq [sflag:s16], $0x1  }
0xc: {  	[sflag:s16] =	ssyncset.done $0x0  }
0xd: {  	[sflag:s16] =	ssyncadd.s32 $0xFFFFFFFF  }
0xe: {  	s17 =	sld [smem:$0x10];
	(tm) =	ssettm $0x1  }
0xf: {  	s18 =	sld [smem:$0x3FFB];
	_ =	sdelay $0x3  }
0x10: {  	_ =	strace s18  }
0x11: {  	s3 =	sld [smem:$0x3FFC];
	_ =	sdelay $0x3  }
0x12: {  	_ =	strace s3  }
0x13: {  	s3 =	sld [smem:$0x3FFD];
	_ =	sdelay $0x3  }
0x14: {  	_ =	strace s3  }
0x15: {  	_ =	strace $0x8FFFFFFF  }
0x16: {  	s19 =	sld [smem:$0x3FDB];
	_ =	sdelay $0x1  }
0x17: {  	s20 =	simm.s32 $_scs_section_size  }
0x18: {  	s5 =	simm.s32 $_size__tile_overlayer_lowered;
	s6 =	simm.s32 $_tile_overlayer_lowered  }
0x19: {  	s23 =	simm.s32 $0x1BFF;
	s22 =	sshll.u32 s6, $0x1;
	s3 =	sadd.s32 s20, s19  }
0x1a: {  	s7 =	simm.s32 $0x0;
	s21 =	sshll.u32 s5, $0x1;
	s5 =	sadd.s32 s22, s3  }
0x1b: {  	[timem:s7], [sflag:s23] =	dma.local [hbm:s5], s21  }
0x1c: {  	_ =	swait.ge [sflag:s23], s21  }
0x1d: {  	s4 =	ssub.s32 $0x0, s21;
	[sflag:s23] =	ssyncset.done $0x0  }
0x1e: {  	[sflag:s23] =	ssyncadd.s32 s4;
	_ =	sdelay $0x1  }
0x1f: {  	s24 =	simm.s32 $0x1B8B  }
0x20: {  	_ =	swait.ge [sflag:s24], $0x1  }
0x21: {  	[sflag:s24] =	ssyncset.done $0x0  }
0x22: {  	s26 =	simm.s32 $0x1B8E;
	s25 =	sld [smem:$0x3FFE];
	[sflag:s24] =	ssyncadd.s32 $0xFFFFFFFF  }
0x23: {  	s27 =	simm.s32 $execute0_lowered;
	[smem:$0x3FD2] =	sst s26  }
0x24: {  	s5 =	sshll.u32 s27, $0x1;
	_ =	strace $0x80000049;
	[dreg:$0x1] =	wrdreg $0xFFFFFFFF  }
0x25: {  	s28 =	simm.s32 $_size_execute0_lowered;
	s3 =	sadd.s32 s3, s5;
	[dreg:$0x0] =	wrdreg $0x0  }
0x26: {  	s5 =	sshll.u32 s28, $0x1;
	[dreg:$0x2] =	wrdreg s3  }
0x27: {  	[dreg:$0x3] =	wrdreg s5  }
0x28: {  	[dreg:$0x4] =	wrdreg $0xC0  }
0x29: {  	_ =	task [dreg:s7], $0x5FFFF  }
0x2a: {  	[dreg:$0x1] =	wrdreg $0xFFFFFFFF  }
0x2b: {  	[dreg:$0x0] =	wrdreg $0x60  }
0x2c: {  	[dreg:$0x2] =	wrdreg s25  }
0x2d: {  	[dreg:$0x3] =	wrdreg s17  }
0x2e: {  	[dreg:$0x4] =	wrdreg $0x9  }
0x2f: {  	_ =	task.clear_ibuf [dreg:s7], $0x5FFFF;
	_ =	strace $0x90000049  }
0x30: {  	s29 =	simm.s32 $0x9;
	_ =	strace $0x8000004B  }
0x31: {  	_ =	swait.ge [sflag:s29], $0x1  }
0x32: {  	[sflag:s29] =	ssyncadd.s32 $0xFFFFFFFF  }
0x33: {  	_ =	strace $0x9000004B  }
0x34: {  	_ =	sfence  }
0x35: {  	s30 =	sld [smem:$0x0];
	_ =	sdelay $0x2  }
0x36: {  	s31 =	sshll.u32 s1, $0xD;
	s1 =	sshrl.u32 s1, $0x2  }
0x37: {  	s3 =	sand.u32 $0x4000, s31;
	s1 =	sadd.s32 s1, s30  }
0x38: {  	s0 =	sor.u32 s3, s0;
	s1 =	sshll.u32 s1, $0x11  }
0x39: {  	s0 =	sor.u32 s1, s0  }
0x3a: {  	s0 =	sadd.s32 $0x8F2B, s0  }
0x3b: {  	[sflag:s0] =	ssyncadd.remote.s32 $0x1  }
0x3c: {  	_ =	sfence.sel $0xFFFF  }
0x3d: {  	[dreg:$0x0] =	wrdreg $0xFFFFFFFF;
	(pc) =	sbr.abs _section_cstart, $3  }
0x3e: {  	[dreg:$0x1] =	wrdreg $0xFFFFFFFF  }
0x3f: {  	_ =	task.clear_ibuf [dreg:s7], $0x2FFFF;
	_ =	strace $0x9FFFFFFF  }
0x40: {  	(tm) =	ssettm $0x7FFFFFFF  }
0x41: {  	_ =	shalt  }
tec
execute0_lowered:
.L_overlay_start_1:
0x0: {  	(tag) =	ssettag $0x1  }
0x1: {  	s7 =	rddreg [dreg:$0x0]  }
0x2: {  	s2 =	rddreg [dreg:$0x1]  }
0x3: {  	s0 =	stileid.u32;
	s1 =	srdreg.scid;
	s31 =	simm.s32 $0x2  }
0x4: {  	s14 =	simm.s32 $0x0;
	s15 =	simm.s32 $0x0;
	s13 =	simm.s32 $0x0  }
0x5: {  	s3 =	sshll.u32 s0, $0x5;
	s4 =	sshll.u32 s1, $0x9;
	s5 =	sshll.u32 s0, $0x1  }
0x6: {  	s1 =	rddreg [dreg:$0x2];
	s4 =	sor.u32 s3, s4;
	s3 =	sand.u32 $0x6, s5  }
0x7: {  	_ =	strace $0x8000004A;
	s4 =	sand.u32 $0x380, s4;
	s5 =	ssub.s32 $0xC8, s3  }
0x8: {  	s12 =	smov.u32 s3;
	s8 =	sshll.u32 s4, $0x4;
	s6 =	sand.u32 $0x6, s5  }
0x9: {  	s9 =	ssub.s32 $0x400, s4;
	s11 =	sshrl.u32 s5, $0x3;
	s5 =	simm.s32 $0x1  }
0xa: {  	p0 =	sne.s32 s6, $0x0;
	s6 =	simm.s32 $0x1;
	s10 =	sand.u32 $0x380, s9  }
0xb: {  	s6 =	simm.s32 @!p0 $0x0;
	p0 =	sne.s32 s10, $0x0;
	s10 =	simm.s32 $0x1  }
.Ltmp0:
0xc: {  	s9 =	sshrl.u32 s9, $0xA;
	s10 =	simm.s32 @!p0 $0x0;
	(pc) =	sbr.rel .LBB1_1-.Ltmp0, $4  }
0xd: {  	[sflag:s5] =	ssyncpa.u1 $0x0;
	s6 =	sadd.s32 s6, s11;
	s9 =	sadd.s32 s10, s9  }
0xe: {  	s8 =	sadd.s32 s8, s7;
	[sflag:s31] =	ssyncpa.u1 $0x0;
	s6 =	smul.u32 s6, s9  }
0xf: {  	s7 =	sadd.s32 $0x323200, s8;
	s8 =	sadd.s32 $0x327200, s8;
	p0 =	por $0x0, $0x0  }
0x10: {  	s11 =	simm.s32 $0x2000;
	s10 =	simm.s32 $0x400;
	s9 =	sadd.s32 $0x1, s6  }
.LBB1_7:
0x11: {  	s16 =	sadd.s32 $0x8, s12  }
0x12: {  	p2 =	sgt.s32 s16, $0xC7  }
0x13: {  	s16 =	smov.u32 @p2 s3;
	p2 =	sne.s32 s13, s9  }
.Ltmp1:
0x14: {  	p1 =	slt.u32 s13, $0x2;
	(pc) =	sbr.rel @!p2 .LBB1_8-.Ltmp1, $4  }
0x15: {  	s14 =	simm.s32 @!p1 $0x2  }
0x16: {  	s17 =	sadd.s32 $0x1, s13;
	s15 =	smov.u32 s12;
	_ =	swait.ge @!p1 [sflag:s14], $0x4000  }
0x17: {  	p0 =	por !p0, !p0;
	s13 =	smov.u32 s17;
	[sflag:s14] =	ssyncset.done @!p1 $0x0  }
0x18: {  	s12 =	smov.u32 s16;
	[sflag:s14] =	ssyncadd.s32 @!p1 $0xFFFFC000;
	s14 =	smov.u32 s4  }
.LBB1_1:
0x19: {  	p1 =	sge.u32 s13, s6  }
0x1a: {  	s16 =	sxor.u32 @!p1 $0xFFFFFFFF, s13  }
0x1b: {  	s17 =	sshll.u32 @!p1 s12, $0xE;
	s19 =	simm.s32 @!p1 $0x40;
	s16 =	sshll.u32 @!p1 s16, $0xE  }
0x1c: {  	s20 =	simm.s32 @!p1 $0x80;
	s18 =	sadd.s32 @!p1 s17, s7;
	s16 =	sand.u32 @!p1 $0x4000, s16  }
0x1d: {  	[tilespmem:s16], [sflag:$0x1] =	stream.strided.gather @!p1 [hbm4b:s18+s19], $0x2000, s20, s19, $0x38;
	[tilespmem:$0x10100] =	vst v63  }
0x1e: {  	s31 =	sadd.s32 $0xFFFFFFFF, s13;
	s17 =	sadd.s32 @!p1 s17, s8;
	s16 =	sor.u32 @!p1 $0x2000, s16  }
0x1f: {  	[tilespmem:s16], [sflag:$0x1] =	stream.strided.gather @!p1 [hbm4b:s17+s19], $0x2000, s20, s19, $0x38;
	[tilespmem:$0x10100] =	vst v63  }
0x20: {  	p1 =	sge.u32 s31, s6  }
.Ltmp2:
0x21: {  	_ = 	snop;
	(pc) =	sbr.rel @p1 .LBB1_7-.Ltmp2, $1  }
0x22: {  	_ =	sdelay $0x3  }
0x23: {  	s16 =	simm.s32 $0x1;
	s18 =	sand.u32 $0x1, s13  }
0x24: {  	_ =	swait.ge [sflag:s5], $0x4000;
	s16 =	simm.s32 @!p0 $0x0;
	s18 =	smul.u32 $0x10200, s18  }
0x25: {  	p2 =	por $0x1, $0x1;
	[sflag:s5] =	ssyncset.done $0x0;
	s17 =	smul.u32 $0x10200, s16  }
0x26: {  	s19 =	sshll.u32 s16, $0x10;
	[sflag:s5] =	ssyncadd.s32 $0xFFFFC000;
	s30 =	sshrl.u32 s18, $0x2  }
0x27: {  	s31 =	sshrl.u32 s19, $0x2;
	s19 =	simm.s32 $0x0;
	s17 =	sshrl.u32 s17, $0x2  }
0x28: {  	s16 =	sor.u32 $0x8000, s30;
	s18 =	sadd.s32 $0x20, s31;
	s17 =	sor.u32 $0x8000, s17  }
.LBB1_3:
0x29: {  	s20 =	sshll.u32 s19, $0xD  }
0x2a: {  	s20 =	sand.u32 $0x3FFFE000, s20  }
0x2b: {  	s22 =	sadd.s32 s20, s18  }
0x2c: {  	s31 =	smul.u32 $0x8100, s19;
	v3 =	vld [tilespmem:s22+$0x10]  }
0x2d: {  	v1 =	vld [tilespmem:s22+$0xFFFFFFF0]  }
0x2e: {  	s19 =	sshra.s32 s31, $0x2;
	v0 =	vld [tilespmem:s22+$0x0]  }
0x2f: {  	s19 =	sadd.s32 s19, s17;
	v2 =	vld [tilespmem:s22+$0xFFFFFFE0]  }
0x30: {  	s20 =	sadd.s32 $0x0, s19  }
0x31: {  	p1 =	por p2, p2;
	s21 =	simm.s32 $0x4;
	s22 =	sadd.s32 $0x40, s22;
	[tilespmem:s20+$0x1830 ss:$0x81] =	vst.msk $0xffff, v3  }
.LBB1_4:
0x32: {  	v3 =	vld [tilespmem:s22+$0x10];
	p2 =	sne.s32 s21, $0x1FC;
	[tilespmem:s20+$0x810 ss:$0x81] =	vst.msk $0xffff, v1;
	s23 =	smov.u32 s21;
	s21 =	sadd.s32 $0x4, s21  }
.Ltmp3:
0x33: {  	v1 =	vld [tilespmem:s22+$0xFFFFFFF0];
	[tilespmem:s20+$0x1020 ss:$0x81] =	vst.msk $0xffff, v0;
	(pc) =	sbr.rel @p2 .LBB1_4-.Ltmp3, $4  }
0x34: {  	v0 =	vld [tilespmem:s22+$0x0];
	[tilespmem:s20+$0x0 ss:$0x81] =	vst.msk $0xffff, v2  }
0x35: {  	s20 =	sshra.s32 s23, $0x2;
	v2 =	vld [tilespmem:s22+$0xFFFFFFE0]  }
0x36: {  	s20 =	sadd.s32 s20, s19  }
0x37: {  	s22 =	sadd.s32 $0x40, s22;
	[tilespmem:s20+$0x1830 ss:$0x81] =	vst.msk $0xffff, v3  }
.Ltmp4:
0x38: {  	(pc) =	sbr.rel @p1 .LBB1_3-.Ltmp4, $4  }
0x39: {  	_ = 	snop  }
0x3a: {  	[tilespmem:s20+$0x810 ss:$0x81] =	vst.msk $0xffff, v1  }
0x3b: {  	[tilespmem:s20+$0x1020 ss:$0x81] =	vst.msk $0xffff, v0  }
0x3c: {  	s19 =	simm.s32 $0x1;
	p2 =	por $0x0, $0x0;
	[tilespmem:s20+$0x0 ss:$0x81] =	vst.msk $0xffff, v2  }
.Ltmp5:
0x3d: {  	(pc) =	sbr.rel .LBB1_7-.Ltmp5, $4  }
0x3e: {  	_ = 	snop  }
0x3f: {  	s15 =	sshll.u32 s15, $0xD;
	s14 =	sadd.s32 s2, s14  }
0x40: {  	s14 =	sadd.s32 s15, s14  }
0x41: {  	[hbm4b:s14+s10] =	stream.strided.scatter [tilespmem:s16], [sflag:$0x2], $0x4000, s11, s10, $0x20;
	[tilespmem:$0x10100] =	vst v63  }
.LBB1_8:
0x42: {  	_ =	sfence.sel $0x180000  }
0x43: {  	s2 =	simm.s32 $0x1;
	[bflag:$0x0] =	sbarrier.arrive $0xFFFF  }
0x44: {  	s31 =	simm.s32 $0x2;
	[sflag:s2] =	ssyncpa.u1 $0x1  }
0x45: {  	[sflag:s31] =	ssyncpa.u1 $0x1  }
0x46: {  	p0 =	sne.s32 s0, $0x0;
	_ =	strace $0x9000004A  }
0x47: {  	s0 =	sadd.s32 @!p0 $0x100000, s1;
	[bflag:$0x2] =	sbarrier.arrive $0xFFFF  }
0x48: {  	[sflag:s0] =	ssyncadd.tile.s32 @!p0 $0x1;
	_ =	shalt  }
.Lfunc_end1:
_tile_overlayer_lowered:
.L_overlay_start_2:
0x49: {  	(tag) =	ssettag $0x2  }
0x4a: {  	s0 =	rddreg [dreg:$0x0];
	s2 =	stileid.u32  }
0x4b: {  	s1 =	rddreg [dreg:$0x1];
	p0 =	sne.s32 s2, $0x0  }
0x4c: {  	s3 =	rddreg [dreg:$0x2];
	[bflag:$0x3] =	sbarrier.arrive $0xFFFF;
	s2 =	simm.s32 @!p0 $0x1C01  }
0x4d: {  	[timem:s3], [sflag:s2] =	dma.local @!p0 [hbm:s0], s1  }
0x4e: {  	s0 =	simm.s32 @!p0 $0x1  }
0x4f: {  	_ =	swait.ge @!p0 [sflag:s0], s1  }
0x50: {  	s1 =	ssub.s32 @!p0 $0x0, s1;
	[sflag:s0] =	ssyncset.done @!p0 $0x0  }
0x51: {  	[sflag:s0] =	ssyncadd.s32 @!p0 s1  }
0x52: {  	[bflag:$0x3] =	sbarrier.arrive $0xFFFF  }
0x53: {  	_ =	shalt  }

</sc_bundles>
